<compile_context>
chip_gen: v7x
topology: tpu7x:2x2x1
jax: 0.10.2.dev20260603
libtpu: 0.0.44.dev20260713+nightly
codegen_flags: <defaults>
</compile_context>

<pallas_src>
import functools

import jax
import jax.numpy as jnp
from jax import lax
from jax.experimental import pallas as pl
from jax.experimental.pallas import tpu as pltpu
from jax.experimental.pallas import tpu_sc as plsc

NW = 32
IDXW = 128
CH = 512
J = CH // IDXW
NBUF = 3
IWIN = 4096
IROWS = IWIN // IDXW
CPW = IWIN // CH


def kernel(x, table):
    B, H = x.shape
    V, D = table.shape
    N = B * H
    b_per_w = N // NW
    n_ch = b_per_w // CH

    idx2d = x.reshape(N // IDXW, IDXW).astype(jnp.int32)

    mesh = plsc.VectorSubcoreMesh(core_axis_name="c", subcore_axis_name="s")

    @functools.partial(
        pl.kernel,
        mesh=mesh,
        out_type=jax.ShapeDtypeStruct((N, 128), jnp.float32),
        scratch_types=[
            pltpu.VMEM((2, IROWS, IDXW), jnp.int32),
            pltpu.VMEM((NBUF, CH, D), jnp.float32),
            pltpu.SemaphoreType.DMA,
            pltpu.SemaphoreType.DMA((NBUF,)),
        ],
        compiler_params=pltpu.CompilerParams(use_tc_tiling_on_sc=False),
    )
    def gather_kernel(idx_hbm, table_hbm, out_hbm, idx_v, rows_v, gsem, ssem):
        wid = lax.axis_index("s") * 2 + lax.axis_index("c")
        base = wid * b_per_w
        base_row = wid * (b_per_w // IDXW)

        def stage_window(w):
            row_off = pl.multiple_of(base_row + w * IROWS, 8)
            pltpu.sync_copy(idx_hbm.at[pl.ds(row_off, IROWS)], idx_v.at[lax.rem(w, 2)])

        def gather_descs(k):
            iw = lax.rem(k // CPW, 2)
            r0 = lax.rem(k, CPW) * J
            slot = lax.rem(k, NBUF)
            return [
                pltpu.make_async_copy(
                    table_hbm.at[idx_v.at[iw, r0 + j]],
                    rows_v.at[slot, pl.ds(j * IDXW, IDXW)],
                    gsem,
                )
                for j in range(J)
            ]

        def store_desc(k):
            slot = lax.rem(k, NBUF)
            return pltpu.make_async_copy(
                rows_v.at[slot],
                out_hbm.at[pl.ds(base + k * CH, CH), pl.ds(0, D)],
                ssem.at[slot],
            )

        stage_window(0)
        for c in gather_descs(0):
            c.start()

        def body(k, carry):
            @pl.when(k + 1 < n_ch)
            def _():
                @pl.when(lax.rem(k + 1, CPW) == 0)
                def _():
                    stage_window((k + 1) // CPW)

                @pl.when(k + 1 >= NBUF)
                def _():
                    store_desc(k + 1 - NBUF).wait()

                for c in gather_descs(k + 1):
                    c.start()

            for c in gather_descs(k):
                c.wait()
            store_desc(k).start()
            return carry

        lax.fori_loop(0, n_ch, body, 0)

        for t in range(NBUF):
            store_desc(n_ch - NBUF + t).wait()

    out128 = gather_kernel(idx2d, table)
    return out128[:, :D].reshape(B, H, D)

# --- scband reference (transcript-rebuilt; emitter-appended) ---
"""Pipeline reference for scband-token-embeddings-13778255085611 (READ-ONLY COPY).

The authoritative reference and input builder live on the scoring server;
editing this copy changes nothing except your own understanding.
"""

import jax, jax.numpy as jnp
import numpy as np

VOCAB = 1000000
EMBED_DIM = 64
BATCH = 16384
HIST = 200

def setup_inputs(seed: int = 0) -> dict:
    key = jax.random.key(seed)
    k_idx, k_tab = jax.random.split(key)
    x = jax.random.randint(k_idx, (BATCH, HIST), 0, VOCAB, dtype=jnp.int64 if jax.config.jax_enable_x64 else jnp.int32)
    table = jax.random.normal(k_tab, (VOCAB, EMBED_DIM), dtype=jnp.float32) * (1.0 / np.sqrt(EMBED_DIM))
    return {"x": x, "table": table}

def reference(x, table):
    # nn.Embedding forward: gather rows of the table by index
    return jnp.take(table, x, axis=0)

if __name__ == "__main__":
    import jax
    _d = setup_inputs()
    print(jax.jit(kernel)(*tuple(_d.values())))

</pallas_src>

<mosaic_0001>
#map = affine_map<(d0, d1) -> (0, 0)>
module attributes {stable_mosaic.version = 14 : i64} {
  func.func @gather_kernel(%arg0: i32, %arg1: i32, %arg2: memref<25600x128xi32, #tpu.memory_space<hbm>>, %arg3: memref<1000000x64xf32, #tpu.memory_space<hbm>>, %arg4: memref<3276800x128xf32, #tpu.memory_space<hbm>>, %arg5: memref<2x32x128xi32, #tpu.memory_space<vmem>>, %arg6: memref<3x512x64xf32, #tpu.memory_space<vmem>>, %arg7: memref<!tpu.dma_semaphore, #tpu.memory_space<semaphore_mem>>, %arg8: memref<3x!tpu.dma_semaphore, #tpu.memory_space<semaphore_mem>>) attributes {dimension_semantics = [#tpu.dimension_semantics<core_parallel>, #tpu.dimension_semantics<subcore_parallel>], iteration_bounds = array<i64: 2, 16>, scalar_prefetch = 0 : i64, scratch_operands = 4 : i64, tpu.core_type = #tpu.core_type<sc_vector_subcore>, window_params = [{transform_indices = #map}, {transform_indices = #map}, {transform_indices = #map}]} {
    %mul3A = arith.constant 2 : i32
    %mul3A_0 = arith.muli %arg1, %mul3A : i32
    %add3A = arith.addi %mul3A_0, %arg0 : i32
    %mul3A_1 = arith.constant 102400 : i32
    %mul3A_2 = arith.muli %add3A, %mul3A_1 : i32
    %mul3A_3 = arith.constant 800 : i32
    %mul3A_4 = arith.muli %add3A, %mul3A_3 : i32
    %add3A_5 = arith.constant 0 : i32
    %add3A_6 = arith.addi %mul3A_4, %add3A_5 : i32
    %multiple_of3A = tpu.assume_multiple %add3A_6, 8 : i32
    %rem3A = arith.constant 0 : i32
    %rem3A_7 = arith.constant 2 : i32
    %rem3A_8 = arith.remsi %rem3A, %rem3A_7 : i32
    "tpu.region"() ({
      %run_scoped3A = tpu.sem_alloc : memref<!tpu.dma_semaphore, #tpu.memory_space<semaphore_mem>>
      %dma_start3A_128 = arith.constant 0 : i32
      %dma_start3A_129 = arith.constant 0 : i32
      %dma_start3A_130 = tpu.memref_slice %arg5[%rem3A_8, %dma_start3A_128, %dma_start3A_129] : memref<2x32x128xi32, #tpu.memory_space<vmem>> -> memref<1x32x128xi32, #tpu.memory_space<vmem>>
      %dma_start3A_131 = tpu.memref_squeeze %dma_start3A_130 : memref<1x32x128xi32, #tpu.memory_space<vmem>> -> memref<32x128xi32, #tpu.memory_space<vmem>>
      %dma_start3A_132 = arith.constant 0 : i32
      %dma_start3A_133 = tpu.memref_slice %arg2[%multiple_of3A, %dma_start3A_132] : memref<25600x128xi32, #tpu.memory_space<hbm>> -> memref<32x128xi32, #tpu.memory_space<hbm>>
      %dma_start3A_134 = arith.constant 0 : i32
      %dma_start3A_135 = arith.constant 0 : i32
      %dma_start3A_136 = tpu.memref_slice %arg5[%rem3A_8, %dma_start3A_134, %dma_start3A_135] : memref<2x32x128xi32, #tpu.memory_space<vmem>> -> memref<1x32x128xi32, #tpu.memory_space<vmem>>
      %dma_start3A_137 = tpu.memref_squeeze %dma_start3A_136 : memref<1x32x128xi32, #tpu.memory_space<vmem>> -> memref<32x128xi32, #tpu.memory_space<vmem>>
      %dma_start3A_138 = arith.constant 0 : i32
      %dma_start3A_139 = tpu.memref_slice %arg2[%multiple_of3A, %dma_start3A_138] : memref<25600x128xi32, #tpu.memory_space<hbm>> -> memref<32x128xi32, #tpu.memory_space<hbm>>
      tpu.enqueue_dma source(%dma_start3A_139 : memref<32x128xi32, #tpu.memory_space<hbm>>) target(%dma_start3A_137 : memref<32x128xi32, #tpu.memory_space<vmem>>) target_semaphore(%run_scoped3A : memref<!tpu.dma_semaphore, #tpu.memory_space<semaphore_mem>>)
      %dma_wait3A_140 = arith.constant 0 : i32
      %dma_wait3A_141 = arith.constant 0 : i32
      %dma_wait3A_142 = tpu.memref_slice %arg5[%rem3A_8, %dma_wait3A_140, %dma_wait3A_141] : memref<2x32x128xi32, #tpu.memory_space<vmem>> -> memref<1x32x128xi32, #tpu.memory_space<vmem>>
      %dma_wait3A_143 = tpu.memref_squeeze %dma_wait3A_142 : memref<1x32x128xi32, #tpu.memory_space<vmem>> -> memref<32x128xi32, #tpu.memory_space<vmem>>
      %dma_wait3A_144 = arith.constant 0 : i32
      %dma_wait3A_145 = tpu.memref_slice %arg2[%multiple_of3A, %dma_wait3A_144] : memref<25600x128xi32, #tpu.memory_space<hbm>> -> memref<32x128xi32, #tpu.memory_space<hbm>>
      %dma_wait3A_146 = arith.constant 0 : i32
      %dma_wait3A_147 = arith.constant 0 : i32
      %dma_wait3A_148 = tpu.memref_slice %arg5[%rem3A_8, %dma_wait3A_146, %dma_wait3A_147] : memref<2x32x128xi32, #tpu.memory_space<vmem>> -> memref<1x32x128xi32, #tpu.memory_space<vmem>>
      %dma_wait3A_149 = tpu.memref_squeeze %dma_wait3A_148 : memref<1x32x128xi32, #tpu.memory_space<vmem>> -> memref<32x128xi32, #tpu.memory_space<vmem>>
      %dma_wait3A_150 = arith.constant 0 : i32
      %dma_wait3A_151 = tpu.memref_slice %arg2[%multiple_of3A, %dma_wait3A_150] : memref<25600x128xi32, #tpu.memory_space<hbm>> -> memref<32x128xi32, #tpu.memory_space<hbm>>
      tpu.wait_dma2 semaphore(%run_scoped3A : memref<!tpu.dma_semaphore, #tpu.memory_space<semaphore_mem>>) src(%dma_wait3A_151 : memref<32x128xi32, #tpu.memory_space<hbm>>) dst(%dma_wait3A_149 : memref<32x128xi32, #tpu.memory_space<vmem>>)
      tpu.yield
    }) : () -> ()
    %rem3A_9 = arith.constant 0 : i32
    %rem3A_10 = arith.constant 2 : i32
    %rem3A_11 = arith.remsi %rem3A_9, %rem3A_10 : i32
    %rem3A_12 = arith.constant 0 : i32
    %rem3A_13 = arith.constant 8 : i32
    %rem3A_14 = arith.remsi %rem3A_12, %rem3A_13 : i32
    %mul3A_15 = arith.constant 4 : i32
    %mul3A_16 = arith.muli %rem3A_14, %mul3A_15 : i32
    %rem3A_17 = arith.constant 0 : i32
    %rem3A_18 = arith.constant 3 : i32
    %rem3A_19 = arith.remsi %rem3A_17, %rem3A_18 : i32
    %add3A_20 = arith.constant 0 : i32
    %add3A_21 = arith.addi %mul3A_16, %add3A_20 : i32
    %add3A_22 = arith.constant 1 : i32
    %add3A_23 = arith.addi %mul3A_16, %add3A_22 : i32
    %add3A_24 = arith.constant 2 : i32
    %add3A_25 = arith.addi %mul3A_16, %add3A_24 : i32
    %add3A_26 = arith.constant 3 : i32
    %add3A_27 = arith.addi %mul3A_16, %add3A_26 : i32
    %dma_start3A = arith.constant 0 : i32
    %dma_start3A_28 = arith.constant 0 : i32
    %dma_start3A_29 = tpu.memref_slice %arg6[%rem3A_19, %dma_start3A, %dma_start3A_28] : memref<3x512x64xf32, #tpu.memory_space<vmem>> -> memref<1x128x64xf32, #tpu.memory_space<vmem>>
    %dma_start3A_30 = tpu.memref_squeeze %dma_start3A_29 : memref<1x128x64xf32, #tpu.memory_space<vmem>> -> memref<128x64xf32, #tpu.memory_space<vmem>>
    %dma_start3A_31 = arith.constant 0 : i32
    %dma_start3A_32 = tpu.memref_slice %arg5[%rem3A_11, %add3A_21, %dma_start3A_31] : memref<2x32x128xi32, #tpu.memory_space<vmem>> -> memref<1x1x128xi32, #tpu.memory_space<vmem>>
    %dma_start3A_33 = tpu.memref_squeeze %dma_start3A_32 : memref<1x1x128xi32, #tpu.memory_space<vmem>> -> memref<128xi32, #tpu.memory_space<vmem>>
    %dma_start3A_34 = arith.constant 0 : i32
    %dma_start3A_35 = arith.constant 0 : i32
    %dma_start3A_36 = tpu.memref_slice %arg3[%dma_start3A_34, %dma_start3A_35] : memref<1000000x64xf32, #tpu.memory_space<hbm>> -> memref<1000000x64xf32, #tpu.memory_space<hbm>>
    tpu.enqueue_indirect_dma source(%dma_start3A_36 : memref<1000000x64xf32, #tpu.memory_space<hbm>>) target(%dma_start3A_30 : memref<128x64xf32, #tpu.memory_space<vmem>>) offsets(%dma_start3A_33 : memref<128xi32, #tpu.memory_space<vmem>>) semaphore(%arg7 : memref<!tpu.dma_semaphore, #tpu.memory_space<semaphore_mem>>)
    %dma_start3A_37 = arith.constant 128 : i32
    %dma_start3A_38 = arith.constant 0 : i32
    %dma_start3A_39 = tpu.memref_slice %arg6[%rem3A_19, %dma_start3A_37, %dma_start3A_38] : memref<3x512x64xf32, #tpu.memory_space<vmem>> -> memref<1x128x64xf32, #tpu.memory_space<vmem>>
    %dma_start3A_40 = tpu.memref_squeeze %dma_start3A_39 : memref<1x128x64xf32, #tpu.memory_space<vmem>> -> memref<128x64xf32, #tpu.memory_space<vmem>>
    %dma_start3A_41 = arith.constant 0 : i32
    %dma_start3A_42 = tpu.memref_slice %arg5[%rem3A_11, %add3A_23, %dma_start3A_41] : memref<2x32x128xi32, #tpu.memory_space<vmem>> -> memref<1x1x128xi32, #tpu.memory_space<vmem>>
    %dma_start3A_43 = tpu.memref_squeeze %dma_start3A_42 : memref<1x1x128xi32, #tpu.memory_space<vmem>> -> memref<128xi32, #tpu.memory_space<vmem>>
    %dma_start3A_44 = arith.constant 0 : i32
    %dma_start3A_45 = arith.constant 0 : i32
    %dma_start3A_46 = tpu.memref_slice %arg3[%dma_start3A_44, %dma_start3A_45] : memref<1000000x64xf32, #tpu.memory_space<hbm>> -> memref<1000000x64xf32, #tpu.memory_space<hbm>>
    tpu.enqueue_indirect_dma source(%dma_start3A_46 : memref<1000000x64xf32, #tpu.memory_space<hbm>>) target(%dma_start3A_40 : memref<128x64xf32, #tpu.memory_space<vmem>>) offsets(%dma_start3A_43 : memref<128xi32, #tpu.memory_space<vmem>>) semaphore(%arg7 : memref<!tpu.dma_semaphore, #tpu.memory_space<semaphore_mem>>)
    %dma_start3A_47 = arith.constant 256 : i32
    %dma_start3A_48 = arith.constant 0 : i32
    %dma_start3A_49 = tpu.memref_slice %arg6[%rem3A_19, %dma_start3A_47, %dma_start3A_48] : memref<3x512x64xf32, #tpu.memory_space<vmem>> -> memref<1x128x64xf32, #tpu.memory_space<vmem>>
    %dma_start3A_50 = tpu.memref_squeeze %dma_start3A_49 : memref<1x128x64xf32, #tpu.memory_space<vmem>> -> memref<128x64xf32, #tpu.memory_space<vmem>>
    %dma_start3A_51 = arith.constant 0 : i32
    %dma_start3A_52 = tpu.memref_slice %arg5[%rem3A_11, %add3A_25, %dma_start3A_51] : memref<2x32x128xi32, #tpu.memory_space<vmem>> -> memref<1x1x128xi32, #tpu.memory_space<vmem>>
    %dma_start3A_53 = tpu.memref_squeeze %dma_start3A_52 : memref<1x1x128xi32, #tpu.memory_space<vmem>> -> memref<128xi32, #tpu.memory_space<vmem>>
    %dma_start3A_54 = arith.constant 0 : i32
    %dma_start3A_55 = arith.constant 0 : i32
    %dma_start3A_56 = tpu.memref_slice %arg3[%dma_start3A_54, %dma_start3A_55] : memref<1000000x64xf32, #tpu.memory_space<hbm>> -> memref<1000000x64xf32, #tpu.memory_space<hbm>>
    tpu.enqueue_indirect_dma source(%dma_start3A_56 : memref<1000000x64xf32, #tpu.memory_space<hbm>>) target(%dma_start3A_50 : memref<128x64xf32, #tpu.memory_space<vmem>>) offsets(%dma_start3A_53 : memref<128xi32, #tpu.memory_space<vmem>>) semaphore(%arg7 : memref<!tpu.dma_semaphore, #tpu.memory_space<semaphore_mem>>)
    %dma_start3A_57 = arith.constant 384 : i32
    %dma_start3A_58 = arith.constant 0 : i32
    %dma_start3A_59 = tpu.memref_slice %arg6[%rem3A_19, %dma_start3A_57, %dma_start3A_58] : memref<3x512x64xf32, #tpu.memory_space<vmem>> -> memref<1x128x64xf32, #tpu.memory_space<vmem>>
    %dma_start3A_60 = tpu.memref_squeeze %dma_start3A_59 : memref<1x128x64xf32, #tpu.memory_space<vmem>> -> memref<128x64xf32, #tpu.memory_space<vmem>>
    %dma_start3A_61 = arith.constant 0 : i32
    %dma_start3A_62 = tpu.memref_slice %arg5[%rem3A_11, %add3A_27, %dma_start3A_61] : memref<2x32x128xi32, #tpu.memory_space<vmem>> -> memref<1x1x128xi32, #tpu.memory_space<vmem>>
    %dma_start3A_63 = tpu.memref_squeeze %dma_start3A_62 : memref<1x1x128xi32, #tpu.memory_space<vmem>> -> memref<128xi32, #tpu.memory_space<vmem>>
    %dma_start3A_64 = arith.constant 0 : i32
    %dma_start3A_65 = arith.constant 0 : i32
    %dma_start3A_66 = tpu.memref_slice %arg3[%dma_start3A_64, %dma_start3A_65] : memref<1000000x64xf32, #tpu.memory_space<hbm>> -> memref<1000000x64xf32, #tpu.memory_space<hbm>>
    tpu.enqueue_indirect_dma source(%dma_start3A_66 : memref<1000000x64xf32, #tpu.memory_space<hbm>>) target(%dma_start3A_60 : memref<128x64xf32, #tpu.memory_space<vmem>>) offsets(%dma_start3A_63 : memref<128xi32, #tpu.memory_space<vmem>>) semaphore(%arg7 : memref<!tpu.dma_semaphore, #tpu.memory_space<semaphore_mem>>)
    %scan3A = arith.constant 0 : i32
    %scan3A_67 = arith.constant 0 : i32
    %scan3A_68 = arith.constant 200 : i32
    %scan3A_69 = arith.addi %scan3A_67, %scan3A_68 : i32
    %scan3A_70 = arith.constant 1 : i32
    scf.for %scan3A_128 = %scan3A_67 to %scan3A_69 step %scan3A_70  : i32 {
      %add3A_129 = arith.constant 1 : i32
      %add3A_130 = arith.addi %scan3A_128, %add3A_129 : i32
      %lt3A = arith.constant 200 : i32
      %lt3A_131 = arith.cmpi slt, %add3A_130, %lt3A : i32
      %convert_element_type3A = arith.extui %lt3A_131 : i1 to i32
      %cond3A = arith.constant 0 : i32
      %cond3A_132 = arith.cmpi ne, %convert_element_type3A, %cond3A : i32
      scf.if %cond3A_132 {
        %add3A_225 = arith.constant 1 : i32
        %add3A_226 = arith.addi %scan3A_128, %add3A_225 : i32
        %rem3A_227 = arith.constant 8 : i32
        %rem3A_228 = arith.remsi %add3A_226, %rem3A_227 : i32
        %eq3A = arith.constant 0 : i32
        %eq3A_229 = arith.cmpi eq, %rem3A_228, %eq3A : i32
        %convert_element_type3A_230 = arith.extui %eq3A_229 : i1 to i32
        %cond3A_231 = arith.constant 0 : i32
        %cond3A_232 = arith.cmpi ne, %convert_element_type3A_230, %cond3A_231 : i32
        scf.if %cond3A_232 {
          %add3A_321 = arith.constant 1 : i32
          %add3A_322 = arith.addi %scan3A_128, %add3A_321 : i32
          %jit3A_323 = arith.constant 8 : i32
          %div3A_324 = arith.divsi %add3A_322, %jit3A_323 : i32
          %sign3A_325 = arith.constant 0 : i32
          %sign3A_326 = arith.cmpi sgt, %add3A_322, %sign3A_325 : i32
          %sign3A_327 = arith.extui %sign3A_326 : i1 to i32
          %sign3A_328 = arith.constant 0 : i32
          %sign3A_329 = arith.cmpi slt, %add3A_322, %sign3A_328 : i32
          %sign3A_330 = arith.extui %sign3A_329 : i1 to i32
          %sign3A_331 = arith.subi %sign3A_327, %sign3A_330 : i32
          %sign3A_332 = arith.constant 0 : i32
          %sign3A_333 = arith.cmpi sgt, %jit3A_323, %sign3A_332 : i32
          %sign3A_334 = arith.extui %sign3A_333 : i1 to i32
          %sign3A_335 = arith.constant 0 : i32
          %sign3A_336 = arith.cmpi slt, %jit3A_323, %sign3A_335 : i32
          %sign3A_337 = arith.extui %sign3A_336 : i1 to i32
          %sign3A_338 = arith.subi %sign3A_334, %sign3A_337 : i32
          %ne3A_339 = arith.cmpi ne, %sign3A_331, %sign3A_338 : i32
          %rem3A_340 = arith.remsi %add3A_322, %jit3A_323 : i32
          %ne3A_341 = arith.constant 0 : i32
          %ne3A_342 = arith.cmpi ne, %rem3A_340, %ne3A_341 : i32
          %and3A_343 = arith.andi %ne3A_339, %ne3A_342 : i1
          %sub3A_344 = arith.constant 1 : i32
          %sub3A_345 = arith.subi %div3A_324, %sub3A_344 : i32
          %select_n3A_346 = arith.select %and3A_343, %sub3A_345, %div3A_324 : i32
          %mul3A_347 = arith.constant 32 : i32
          %mul3A_348 = arith.muli %select_n3A_346, %mul3A_347 : i32
          %add3A_349 = arith.addi %mul3A_4, %mul3A_348 : i32
          %multiple_of3A_350 = tpu.assume_multiple %add3A_349, 8 : i32
          %rem3A_351 = arith.constant 2 : i32
          %rem3A_352 = arith.remsi %select_n3A_346, %rem3A_351 : i32
          "tpu.region"() ({
            %run_scoped3A = tpu.sem_alloc : memref<!tpu.dma_semaphore, #tpu.memory_space<semaphore_mem>>
            %dma_start3A_353 = arith.constant 0 : i32
            %dma_start3A_354 = arith.constant 0 : i32
            %dma_start3A_355 = tpu.memref_slice %arg5[%rem3A_352, %dma_start3A_353, %dma_start3A_354] : memref<2x32x128xi32, #tpu.memory_space<vmem>> -> memref<1x32x128xi32, #tpu.memory_space<vmem>>
            %dma_start3A_356 = tpu.memref_squeeze %dma_start3A_355 : memref<1x32x128xi32, #tpu.memory_space<vmem>> -> memref<32x128xi32, #tpu.memory_space<vmem>>
            %dma_start3A_357 = arith.constant 0 : i32
            %dma_start3A_358 = tpu.memref_slice %arg2[%multiple_of3A_350, %dma_start3A_357] : memref<25600x128xi32, #tpu.memory_space<hbm>> -> memref<32x128xi32, #tpu.memory_space<hbm>>
            %dma_start3A_359 = arith.constant 0 : i32
            %dma_start3A_360 = arith.constant 0 : i32
            %dma_start3A_361 = tpu.memref_slice %arg5[%rem3A_352, %dma_start3A_359, %dma_start3A_360] : memref<2x32x128xi32, #tpu.memory_space<vmem>> -> memref<1x32x128xi32, #tpu.memory_space<vmem>>
            %dma_start3A_362 = tpu.memref_squeeze %dma_start3A_361 : memref<1x32x128xi32, #tpu.memory_space<vmem>> -> memref<32x128xi32, #tpu.memory_space<vmem>>
            %dma_start3A_363 = arith.constant 0 : i32
            %dma_start3A_364 = tpu.memref_slice %arg2[%multiple_of3A_350, %dma_start3A_363] : memref<25600x128xi32, #tpu.memory_space<hbm>> -> memref<32x128xi32, #tpu.memory_space<hbm>>
            tpu.enqueue_dma source(%dma_start3A_364 : memref<32x128xi32, #tpu.memory_space<hbm>>) target(%dma_start3A_362 : memref<32x128xi32, #tpu.memory_space<vmem>>) target_semaphore(%run_scoped3A : memref<!tpu.dma_semaphore, #tpu.memory_space<semaphore_mem>>)
            %dma_wait3A_365 = arith.constant 0 : i32
            %dma_wait3A_366 = arith.constant 0 : i32
            %dma_wait3A_367 = tpu.memref_slice %arg5[%rem3A_352, %dma_wait3A_365, %dma_wait3A_366] : memref<2x32x128xi32, #tpu.memory_space<vmem>> -> memref<1x32x128xi32, #tpu.memory_space<vmem>>
            %dma_wait3A_368 = tpu.memref_squeeze %dma_wait3A_367 : memref<1x32x128xi32, #tpu.memory_space<vmem>> -> memref<32x128xi32, #tpu.memory_space<vmem>>
            %dma_wait3A_369 = arith.constant 0 : i32
            %dma_wait3A_370 = tpu.memref_slice %arg2[%multiple_of3A_350, %dma_wait3A_369] : memref<25600x128xi32, #tpu.memory_space<hbm>> -> memref<32x128xi32, #tpu.memory_space<hbm>>
            %dma_wait3A_371 = arith.constant 0 : i32
            %dma_wait3A_372 = arith.constant 0 : i32
            %dma_wait3A_373 = tpu.memref_slice %arg5[%rem3A_352, %dma_wait3A_371, %dma_wait3A_372] : memref<2x32x128xi32, #tpu.memory_space<vmem>> -> memref<1x32x128xi32, #tpu.memory_space<vmem>>
            %dma_wait3A_374 = tpu.memref_squeeze %dma_wait3A_373 : memref<1x32x128xi32, #tpu.memory_space<vmem>> -> memref<32x128xi32, #tpu.memory_space<vmem>>
            %dma_wait3A_375 = arith.constant 0 : i32
            %dma_wait3A_376 = tpu.memref_slice %arg2[%multiple_of3A_350, %dma_wait3A_375] : memref<25600x128xi32, #tpu.memory_space<hbm>> -> memref<32x128xi32, #tpu.memory_space<hbm>>
            tpu.wait_dma2 semaphore(%run_scoped3A : memref<!tpu.dma_semaphore, #tpu.memory_space<semaphore_mem>>) src(%dma_wait3A_376 : memref<32x128xi32, #tpu.memory_space<hbm>>) dst(%dma_wait3A_374 : memref<32x128xi32, #tpu.memory_space<vmem>>)
            tpu.yield
          }) : () -> ()
        } else {
        }
        %add3A_233 = arith.constant 1 : i32
        %add3A_234 = arith.addi %scan3A_128, %add3A_233 : i32
        %ge3A = arith.constant 3 : i32
        %ge3A_235 = arith.cmpi sge, %add3A_234, %ge3A : i32
        %convert_element_type3A_236 = arith.extui %ge3A_235 : i1 to i32
        %cond3A_237 = arith.constant 0 : i32
        %cond3A_238 = arith.cmpi ne, %convert_element_type3A_236, %cond3A_237 : i32
        scf.if %cond3A_238 {
          %add3A_321 = arith.constant 1 : i32
          %add3A_322 = arith.addi %scan3A_128, %add3A_321 : i32
          %sub3A_323 = arith.constant 3 : i32
          %sub3A_324 = arith.subi %add3A_322, %sub3A_323 : i32
          %rem3A_325 = arith.constant 3 : i32
          %rem3A_326 = arith.remsi %sub3A_324, %rem3A_325 : i32
          %mul3A_327 = arith.constant 512 : i32
          %mul3A_328 = arith.muli %sub3A_324, %mul3A_327 : i32
          %add3A_329 = arith.addi %mul3A_2, %mul3A_328 : i32
          %dma_wait3A_330 = arith.constant 0 : i32
          %dma_wait3A_331 = arith.constant 0 : i32
          %dma_wait3A_332 = tpu.memref_slice %arg6[%rem3A_326, %dma_wait3A_330, %dma_wait3A_331] : memref<3x512x64xf32, #tpu.memory_space<vmem>> -> memref<1x512x64xf32, #tpu.memory_space<vmem>>
          %dma_wait3A_333 = tpu.memref_squeeze %dma_wait3A_332 : memref<1x512x64xf32, #tpu.memory_space<vmem>> -> memref<512x64xf32, #tpu.memory_space<vmem>>
          %dma_wait3A_334 = arith.constant 0 : i32
          %dma_wait3A_335 = tpu.memref_slice %arg4[%add3A_329, %dma_wait3A_334] : memref<3276800x128xf32, #tpu.memory_space<hbm>> -> memref<512x64xf32, #tpu.memory_space<hbm>>
          %dma_wait3A_336 = tpu.memref_slice %arg8[%rem3A_326] : memref<3x!tpu.dma_semaphore, #tpu.memory_space<semaphore_mem>> -> memref<1x!tpu.dma_semaphore, #tpu.memory_space<semaphore_mem>>
          %dma_wait3A_337 = tpu.memref_squeeze %dma_wait3A_336 : memref<1x!tpu.dma_semaphore, #tpu.memory_space<semaphore_mem>> -> memref<!tpu.dma_semaphore, #tpu.memory_space<semaphore_mem>>
          %dma_wait3A_338 = arith.constant 0 : i32
          %dma_wait3A_339 = tpu.memref_slice %arg4[%add3A_329, %dma_wait3A_338] : memref<3276800x128xf32, #tpu.memory_space<hbm>> -> memref<512x64xf32, #tpu.memory_space<hbm>>
          %dma_wait3A_340 = arith.constant 0 : i32
          %dma_wait3A_341 = arith.constant 0 : i32
          %dma_wait3A_342 = tpu.memref_slice %arg6[%rem3A_326, %dma_wait3A_340, %dma_wait3A_341] : memref<3x512x64xf32, #tpu.memory_space<vmem>> -> memref<1x512x64xf32, #tpu.memory_space<vmem>>
          %dma_wait3A_343 = tpu.memref_squeeze %dma_wait3A_342 : memref<1x512x64xf32, #tpu.memory_space<vmem>> -> memref<512x64xf32, #tpu.memory_space<vmem>>
          tpu.wait_dma2 semaphore(%dma_wait3A_337 : memref<!tpu.dma_semaphore, #tpu.memory_space<semaphore_mem>>) src(%dma_wait3A_343 : memref<512x64xf32, #tpu.memory_space<vmem>>) dst(%dma_wait3A_339 : memref<512x64xf32, #tpu.memory_space<hbm>>)
        } else {
        }
        %add3A_239 = arith.constant 1 : i32
        %add3A_240 = arith.addi %scan3A_128, %add3A_239 : i32
        %jit3A_241 = arith.constant 8 : i32
        %div3A_242 = arith.divsi %add3A_240, %jit3A_241 : i32
        %sign3A_243 = arith.constant 0 : i32
        %sign3A_244 = arith.cmpi sgt, %add3A_240, %sign3A_243 : i32
        %sign3A_245 = arith.extui %sign3A_244 : i1 to i32
        %sign3A_246 = arith.constant 0 : i32
        %sign3A_247 = arith.cmpi slt, %add3A_240, %sign3A_246 : i32
        %sign3A_248 = arith.extui %sign3A_247 : i1 to i32
        %sign3A_249 = arith.subi %sign3A_245, %sign3A_248 : i32
        %sign3A_250 = arith.constant 0 : i32
        %sign3A_251 = arith.cmpi sgt, %jit3A_241, %sign3A_250 : i32
        %sign3A_252 = arith.extui %sign3A_251 : i1 to i32
        %sign3A_253 = arith.constant 0 : i32
        %sign3A_254 = arith.cmpi slt, %jit3A_241, %sign3A_253 : i32
        %sign3A_255 = arith.extui %sign3A_254 : i1 to i32
        %sign3A_256 = arith.subi %sign3A_252, %sign3A_255 : i32
        %ne3A_257 = arith.cmpi ne, %sign3A_249, %sign3A_256 : i32
        %rem3A_258 = arith.remsi %add3A_240, %jit3A_241 : i32
        %ne3A_259 = arith.constant 0 : i32
        %ne3A_260 = arith.cmpi ne, %rem3A_258, %ne3A_259 : i32
        %and3A_261 = arith.andi %ne3A_257, %ne3A_260 : i1
        %sub3A_262 = arith.constant 1 : i32
        %sub3A_263 = arith.subi %div3A_242, %sub3A_262 : i32
        %select_n3A_264 = arith.select %and3A_261, %sub3A_263, %div3A_242 : i32
        %rem3A_265 = arith.constant 2 : i32
        %rem3A_266 = arith.remsi %select_n3A_264, %rem3A_265 : i32
        %rem3A_267 = arith.constant 8 : i32
        %rem3A_268 = arith.remsi %add3A_240, %rem3A_267 : i32
        %mul3A_269 = arith.constant 4 : i32
        %mul3A_270 = arith.muli %rem3A_268, %mul3A_269 : i32
        %rem3A_271 = arith.constant 3 : i32
        %rem3A_272 = arith.remsi %add3A_240, %rem3A_271 : i32
        %add3A_273 = arith.constant 0 : i32
        %add3A_274 = arith.addi %mul3A_270, %add3A_273 : i32
        %add3A_275 = arith.constant 1 : i32
        %add3A_276 = arith.addi %mul3A_270, %add3A_275 : i32
        %add3A_277 = arith.constant 2 : i32
        %add3A_278 = arith.addi %mul3A_270, %add3A_277 : i32
        %add3A_279 = arith.constant 3 : i32
        %add3A_280 = arith.addi %mul3A_270, %add3A_279 : i32
        %dma_start3A_281 = arith.constant 0 : i32
        %dma_start3A_282 = arith.constant 0 : i32
        %dma_start3A_283 = tpu.memref_slice %arg6[%rem3A_272, %dma_start3A_281, %dma_start3A_282] : memref<3x512x64xf32, #tpu.memory_space<vmem>> -> memref<1x128x64xf32, #tpu.memory_space<vmem>>
        %dma_start3A_284 = tpu.memref_squeeze %dma_start3A_283 : memref<1x128x64xf32, #tpu.memory_space<vmem>> -> memref<128x64xf32, #tpu.memory_space<vmem>>
        %dma_start3A_285 = arith.constant 0 : i32
        %dma_start3A_286 = tpu.memref_slice %arg5[%rem3A_266, %add3A_274, %dma_start3A_285] : memref<2x32x128xi32, #tpu.memory_space<vmem>> -> memref<1x1x128xi32, #tpu.memory_space<vmem>>
        %dma_start3A_287 = tpu.memref_squeeze %dma_start3A_286 : memref<1x1x128xi32, #tpu.memory_space<vmem>> -> memref<128xi32, #tpu.memory_space<vmem>>
        %dma_start3A_288 = arith.constant 0 : i32
        %dma_start3A_289 = arith.constant 0 : i32
        %dma_start3A_290 = tpu.memref_slice %arg3[%dma_start3A_288, %dma_start3A_289] : memref<1000000x64xf32, #tpu.memory_space<hbm>> -> memref<1000000x64xf32, #tpu.memory_space<hbm>>
        tpu.enqueue_indirect_dma source(%dma_start3A_290 : memref<1000000x64xf32, #tpu.memory_space<hbm>>) target(%dma_start3A_284 : memref<128x64xf32, #tpu.memory_space<vmem>>) offsets(%dma_start3A_287 : memref<128xi32, #tpu.memory_space<vmem>>) semaphore(%arg7 : memref<!tpu.dma_semaphore, #tpu.memory_space<semaphore_mem>>)
        %dma_start3A_291 = arith.constant 128 : i32
        %dma_start3A_292 = arith.constant 0 : i32
        %dma_start3A_293 = tpu.memref_slice %arg6[%rem3A_272, %dma_start3A_291, %dma_start3A_292] : memref<3x512x64xf32, #tpu.memory_space<vmem>> -> memref<1x128x64xf32, #tpu.memory_space<vmem>>
        %dma_start3A_294 = tpu.memref_squeeze %dma_start3A_293 : memref<1x128x64xf32, #tpu.memory_space<vmem>> -> memref<128x64xf32, #tpu.memory_space<vmem>>
        %dma_start3A_295 = arith.constant 0 : i32
        %dma_start3A_296 = tpu.memref_slice %arg5[%rem3A_266, %add3A_276, %dma_start3A_295] : memref<2x32x128xi32, #tpu.memory_space<vmem>> -> memref<1x1x128xi32, #tpu.memory_space<vmem>>
        %dma_start3A_297 = tpu.memref_squeeze %dma_start3A_296 : memref<1x1x128xi32, #tpu.memory_space<vmem>> -> memref<128xi32, #tpu.memory_space<vmem>>
        %dma_start3A_298 = arith.constant 0 : i32
        %dma_start3A_299 = arith.constant 0 : i32
        %dma_start3A_300 = tpu.memref_slice %arg3[%dma_start3A_298, %dma_start3A_299] : memref<1000000x64xf32, #tpu.memory_space<hbm>> -> memref<1000000x64xf32, #tpu.memory_space<hbm>>
        tpu.enqueue_indirect_dma source(%dma_start3A_300 : memref<1000000x64xf32, #tpu.memory_space<hbm>>) target(%dma_start3A_294 : memref<128x64xf32, #tpu.memory_space<vmem>>) offsets(%dma_start3A_297 : memref<128xi32, #tpu.memory_space<vmem>>) semaphore(%arg7 : memref<!tpu.dma_semaphore, #tpu.memory_space<semaphore_mem>>)
        %dma_start3A_301 = arith.constant 256 : i32
        %dma_start3A_302 = arith.constant 0 : i32
        %dma_start3A_303 = tpu.memref_slice %arg6[%rem3A_272, %dma_start3A_301, %dma_start3A_302] : memref<3x512x64xf32, #tpu.memory_space<vmem>> -> memref<1x128x64xf32, #tpu.memory_space<vmem>>
        %dma_start3A_304 = tpu.memref_squeeze %dma_start3A_303 : memref<1x128x64xf32, #tpu.memory_space<vmem>> -> memref<128x64xf32, #tpu.memory_space<vmem>>
        %dma_start3A_305 = arith.constant 0 : i32
        %dma_start3A_306 = tpu.memref_slice %arg5[%rem3A_266, %add3A_278, %dma_start3A_305] : memref<2x32x128xi32, #tpu.memory_space<vmem>> -> memref<1x1x128xi32, #tpu.memory_space<vmem>>
        %dma_start3A_307 = tpu.memref_squeeze %dma_start3A_306 : memref<1x1x128xi32, #tpu.memory_space<vmem>> -> memref<128xi32, #tpu.memory_space<vmem>>
        %dma_start3A_308 = arith.constant 0 : i32
        %dma_start3A_309 = arith.constant 0 : i32
        %dma_start3A_310 = tpu.memref_slice %arg3[%dma_start3A_308, %dma_start3A_309] : memref<1000000x64xf32, #tpu.memory_space<hbm>> -> memref<1000000x64xf32, #tpu.memory_space<hbm>>
        tpu.enqueue_indirect_dma source(%dma_start3A_310 : memref<1000000x64xf32, #tpu.memory_space<hbm>>) target(%dma_start3A_304 : memref<128x64xf32, #tpu.memory_space<vmem>>) offsets(%dma_start3A_307 : memref<128xi32, #tpu.memory_space<vmem>>) semaphore(%arg7 : memref<!tpu.dma_semaphore, #tpu.memory_space<semaphore_mem>>)
        %dma_start3A_311 = arith.constant 384 : i32
        %dma_start3A_312 = arith.constant 0 : i32
        %dma_start3A_313 = tpu.memref_slice %arg6[%rem3A_272, %dma_start3A_311, %dma_start3A_312] : memref<3x512x64xf32, #tpu.memory_space<vmem>> -> memref<1x128x64xf32, #tpu.memory_space<vmem>>
        %dma_start3A_314 = tpu.memref_squeeze %dma_start3A_313 : memref<1x128x64xf32, #tpu.memory_space<vmem>> -> memref<128x64xf32, #tpu.memory_space<vmem>>
        %dma_start3A_315 = arith.constant 0 : i32
        %dma_start3A_316 = tpu.memref_slice %arg5[%rem3A_266, %add3A_280, %dma_start3A_315] : memref<2x32x128xi32, #tpu.memory_space<vmem>> -> memref<1x1x128xi32, #tpu.memory_space<vmem>>
        %dma_start3A_317 = tpu.memref_squeeze %dma_start3A_316 : memref<1x1x128xi32, #tpu.memory_space<vmem>> -> memref<128xi32, #tpu.memory_space<vmem>>
        %dma_start3A_318 = arith.constant 0 : i32
        %dma_start3A_319 = arith.constant 0 : i32
        %dma_start3A_320 = tpu.memref_slice %arg3[%dma_start3A_318, %dma_start3A_319] : memref<1000000x64xf32, #tpu.memory_space<hbm>> -> memref<1000000x64xf32, #tpu.memory_space<hbm>>
        tpu.enqueue_indirect_dma source(%dma_start3A_320 : memref<1000000x64xf32, #tpu.memory_space<hbm>>) target(%dma_start3A_314 : memref<128x64xf32, #tpu.memory_space<vmem>>) offsets(%dma_start3A_317 : memref<128xi32, #tpu.memory_space<vmem>>) semaphore(%arg7 : memref<!tpu.dma_semaphore, #tpu.memory_space<semaphore_mem>>)
      } else {
      }
      %jit3A = arith.constant 8 : i32
      %div3A = arith.divsi %scan3A_128, %jit3A : i32
      %sign3A = arith.constant 0 : i32
      %sign3A_133 = arith.cmpi sgt, %scan3A_128, %sign3A : i32
      %sign3A_134 = arith.extui %sign3A_133 : i1 to i32
      %sign3A_135 = arith.constant 0 : i32
      %sign3A_136 = arith.cmpi slt, %scan3A_128, %sign3A_135 : i32
      %sign3A_137 = arith.extui %sign3A_136 : i1 to i32
      %sign3A_138 = arith.subi %sign3A_134, %sign3A_137 : i32
      %sign3A_139 = arith.constant 0 : i32
      %sign3A_140 = arith.cmpi sgt, %jit3A, %sign3A_139 : i32
      %sign3A_141 = arith.extui %sign3A_140 : i1 to i32
      %sign3A_142 = arith.constant 0 : i32
      %sign3A_143 = arith.cmpi slt, %jit3A, %sign3A_142 : i32
      %sign3A_144 = arith.extui %sign3A_143 : i1 to i32
      %sign3A_145 = arith.subi %sign3A_141, %sign3A_144 : i32
      %ne3A = arith.cmpi ne, %sign3A_138, %sign3A_145 : i32
      %rem3A_146 = arith.remsi %scan3A_128, %jit3A : i32
      %ne3A_147 = arith.constant 0 : i32
      %ne3A_148 = arith.cmpi ne, %rem3A_146, %ne3A_147 : i32
      %and3A = arith.andi %ne3A, %ne3A_148 : i1
      %sub3A = arith.constant 1 : i32
      %sub3A_149 = arith.subi %div3A, %sub3A : i32
      %select_n3A = arith.select %and3A, %sub3A_149, %div3A : i32
      %rem3A_150 = arith.constant 2 : i32
      %rem3A_151 = arith.remsi %select_n3A, %rem3A_150 : i32
      %rem3A_152 = arith.constant 8 : i32
      %rem3A_153 = arith.remsi %scan3A_128, %rem3A_152 : i32
      %mul3A_154 = arith.constant 4 : i32
      %mul3A_155 = arith.muli %rem3A_153, %mul3A_154 : i32
      %rem3A_156 = arith.constant 3 : i32
      %rem3A_157 = arith.remsi %scan3A_128, %rem3A_156 : i32
      %add3A_158 = arith.constant 0 : i32
      %add3A_159 = arith.addi %mul3A_155, %add3A_158 : i32
      %add3A_160 = arith.constant 1 : i32
      %add3A_161 = arith.addi %mul3A_155, %add3A_160 : i32
      %add3A_162 = arith.constant 2 : i32
      %add3A_163 = arith.addi %mul3A_155, %add3A_162 : i32
      %add3A_164 = arith.constant 3 : i32
      %add3A_165 = arith.addi %mul3A_155, %add3A_164 : i32
      %dma_wait3A_166 = arith.constant 0 : i32
      %dma_wait3A_167 = arith.constant 0 : i32
      %dma_wait3A_168 = tpu.memref_slice %arg6[%rem3A_157, %dma_wait3A_166, %dma_wait3A_167] : memref<3x512x64xf32, #tpu.memory_space<vmem>> -> memref<1x128x64xf32, #tpu.memory_space<vmem>>
      %dma_wait3A_169 = tpu.memref_squeeze %dma_wait3A_168 : memref<1x128x64xf32, #tpu.memory_space<vmem>> -> memref<128x64xf32, #tpu.memory_space<vmem>>
      %dma_wait3A_170 = arith.constant 0 : i32
      %dma_wait3A_171 = tpu.memref_slice %arg5[%rem3A_151, %add3A_159, %dma_wait3A_170] : memref<2x32x128xi32, #tpu.memory_space<vmem>> -> memref<1x1x128xi32, #tpu.memory_space<vmem>>
      %dma_wait3A_172 = tpu.memref_squeeze %dma_wait3A_171 : memref<1x1x128xi32, #tpu.memory_space<vmem>> -> memref<128xi32, #tpu.memory_space<vmem>>
      %dma_wait3A_173 = arith.constant 0 : i32
      %dma_wait3A_174 = arith.constant 0 : i32
      %dma_wait3A_175 = tpu.memref_slice %arg3[%dma_wait3A_173, %dma_wait3A_174] : memref<1000000x64xf32, #tpu.memory_space<hbm>> -> memref<1000000x64xf32, #tpu.memory_space<hbm>>
      tpu.wait_indirect_dma semaphore(%arg7 : memref<!tpu.dma_semaphore, #tpu.memory_space<semaphore_mem>>) src(%dma_wait3A_175 : memref<1000000x64xf32, #tpu.memory_space<hbm>>) dst(%dma_wait3A_169 : memref<128x64xf32, #tpu.memory_space<vmem>>)
      %dma_wait3A_176 = arith.constant 128 : i32
      %dma_wait3A_177 = arith.constant 0 : i32
      %dma_wait3A_178 = tpu.memref_slice %arg6[%rem3A_157, %dma_wait3A_176, %dma_wait3A_177] : memref<3x512x64xf32, #tpu.memory_space<vmem>> -> memref<1x128x64xf32, #tpu.memory_space<vmem>>
      %dma_wait3A_179 = tpu.memref_squeeze %dma_wait3A_178 : memref<1x128x64xf32, #tpu.memory_space<vmem>> -> memref<128x64xf32, #tpu.memory_space<vmem>>
      %dma_wait3A_180 = arith.constant 0 : i32
      %dma_wait3A_181 = tpu.memref_slice %arg5[%rem3A_151, %add3A_161, %dma_wait3A_180] : memref<2x32x128xi32, #tpu.memory_space<vmem>> -> memref<1x1x128xi32, #tpu.memory_space<vmem>>
      %dma_wait3A_182 = tpu.memref_squeeze %dma_wait3A_181 : memref<1x1x128xi32, #tpu.memory_space<vmem>> -> memref<128xi32, #tpu.memory_space<vmem>>
      %dma_wait3A_183 = arith.constant 0 : i32
      %dma_wait3A_184 = arith.constant 0 : i32
      %dma_wait3A_185 = tpu.memref_slice %arg3[%dma_wait3A_183, %dma_wait3A_184] : memref<1000000x64xf32, #tpu.memory_space<hbm>> -> memref<1000000x64xf32, #tpu.memory_space<hbm>>
      tpu.wait_indirect_dma semaphore(%arg7 : memref<!tpu.dma_semaphore, #tpu.memory_space<semaphore_mem>>) src(%dma_wait3A_185 : memref<1000000x64xf32, #tpu.memory_space<hbm>>) dst(%dma_wait3A_179 : memref<128x64xf32, #tpu.memory_space<vmem>>)
      %dma_wait3A_186 = arith.constant 256 : i32
      %dma_wait3A_187 = arith.constant 0 : i32
      %dma_wait3A_188 = tpu.memref_slice %arg6[%rem3A_157, %dma_wait3A_186, %dma_wait3A_187] : memref<3x512x64xf32, #tpu.memory_space<vmem>> -> memref<1x128x64xf32, #tpu.memory_space<vmem>>
      %dma_wait3A_189 = tpu.memref_squeeze %dma_wait3A_188 : memref<1x128x64xf32, #tpu.memory_space<vmem>> -> memref<128x64xf32, #tpu.memory_space<vmem>>
      %dma_wait3A_190 = arith.constant 0 : i32
      %dma_wait3A_191 = tpu.memref_slice %arg5[%rem3A_151, %add3A_163, %dma_wait3A_190] : memref<2x32x128xi32, #tpu.memory_space<vmem>> -> memref<1x1x128xi32, #tpu.memory_space<vmem>>
      %dma_wait3A_192 = tpu.memref_squeeze %dma_wait3A_191 : memref<1x1x128xi32, #tpu.memory_space<vmem>> -> memref<128xi32, #tpu.memory_space<vmem>>
      %dma_wait3A_193 = arith.constant 0 : i32
      %dma_wait3A_194 = arith.constant 0 : i32
      %dma_wait3A_195 = tpu.memref_slice %arg3[%dma_wait3A_193, %dma_wait3A_194] : memref<1000000x64xf32, #tpu.memory_space<hbm>> -> memref<1000000x64xf32, #tpu.memory_space<hbm>>
      tpu.wait_indirect_dma semaphore(%arg7 : memref<!tpu.dma_semaphore, #tpu.memory_space<semaphore_mem>>) src(%dma_wait3A_195 : memref<1000000x64xf32, #tpu.memory_space<hbm>>) dst(%dma_wait3A_189 : memref<128x64xf32, #tpu.memory_space<vmem>>)
      %dma_wait3A_196 = arith.constant 384 : i32
      %dma_wait3A_197 = arith.constant 0 : i32
      %dma_wait3A_198 = tpu.memref_slice %arg6[%rem3A_157, %dma_wait3A_196, %dma_wait3A_197] : memref<3x512x64xf32, #tpu.memory_space<vmem>> -> memref<1x128x64xf32, #tpu.memory_space<vmem>>
      %dma_wait3A_199 = tpu.memref_squeeze %dma_wait3A_198 : memref<1x128x64xf32, #tpu.memory_space<vmem>> -> memref<128x64xf32, #tpu.memory_space<vmem>>
      %dma_wait3A_200 = arith.constant 0 : i32
      %dma_wait3A_201 = tpu.memref_slice %arg5[%rem3A_151, %add3A_165, %dma_wait3A_200] : memref<2x32x128xi32, #tpu.memory_space<vmem>> -> memref<1x1x128xi32, #tpu.memory_space<vmem>>
      %dma_wait3A_202 = tpu.memref_squeeze %dma_wait3A_201 : memref<1x1x128xi32, #tpu.memory_space<vmem>> -> memref<128xi32, #tpu.memory_space<vmem>>
      %dma_wait3A_203 = arith.constant 0 : i32
      %dma_wait3A_204 = arith.constant 0 : i32
      %dma_wait3A_205 = tpu.memref_slice %arg3[%dma_wait3A_203, %dma_wait3A_204] : memref<1000000x64xf32, #tpu.memory_space<hbm>> -> memref<1000000x64xf32, #tpu.memory_space<hbm>>
      tpu.wait_indirect_dma semaphore(%arg7 : memref<!tpu.dma_semaphore, #tpu.memory_space<semaphore_mem>>) src(%dma_wait3A_205 : memref<1000000x64xf32, #tpu.memory_space<hbm>>) dst(%dma_wait3A_199 : memref<128x64xf32, #tpu.memory_space<vmem>>)
      %rem3A_206 = arith.constant 3 : i32
      %rem3A_207 = arith.remsi %scan3A_128, %rem3A_206 : i32
      %mul3A_208 = arith.constant 512 : i32
      %mul3A_209 = arith.muli %scan3A_128, %mul3A_208 : i32
      %add3A_210 = arith.addi %mul3A_2, %mul3A_209 : i32
      %dma_start3A_211 = arith.constant 0 : i32
      %dma_start3A_212 = arith.constant 0 : i32
      %dma_start3A_213 = tpu.memref_slice %arg6[%rem3A_207, %dma_start3A_211, %dma_start3A_212] : memref<3x512x64xf32, #tpu.memory_space<vmem>> -> memref<1x512x64xf32, #tpu.memory_space<vmem>>
      %dma_start3A_214 = tpu.memref_squeeze %dma_start3A_213 : memref<1x512x64xf32, #tpu.memory_space<vmem>> -> memref<512x64xf32, #tpu.memory_space<vmem>>
      %dma_start3A_215 = arith.constant 0 : i32
      %dma_start3A_216 = tpu.memref_slice %arg4[%add3A_210, %dma_start3A_215] : memref<3276800x128xf32, #tpu.memory_space<hbm>> -> memref<512x64xf32, #tpu.memory_space<hbm>>
      %dma_start3A_217 = tpu.memref_slice %arg8[%rem3A_207] : memref<3x!tpu.dma_semaphore, #tpu.memory_space<semaphore_mem>> -> memref<1x!tpu.dma_semaphore, #tpu.memory_space<semaphore_mem>>
      %dma_start3A_218 = tpu.memref_squeeze %dma_start3A_217 : memref<1x!tpu.dma_semaphore, #tpu.memory_space<semaphore_mem>> -> memref<!tpu.dma_semaphore, #tpu.memory_space<semaphore_mem>>
      %dma_start3A_219 = arith.constant 0 : i32
      %dma_start3A_220 = tpu.memref_slice %arg4[%add3A_210, %dma_start3A_219] : memref<3276800x128xf32, #tpu.memory_space<hbm>> -> memref<512x64xf32, #tpu.memory_space<hbm>>
      %dma_start3A_221 = arith.constant 0 : i32
      %dma_start3A_222 = arith.constant 0 : i32
      %dma_start3A_223 = tpu.memref_slice %arg6[%rem3A_207, %dma_start3A_221, %dma_start3A_222] : memref<3x512x64xf32, #tpu.memory_space<vmem>> -> memref<1x512x64xf32, #tpu.memory_space<vmem>>
      %dma_start3A_224 = tpu.memref_squeeze %dma_start3A_223 : memref<1x512x64xf32, #tpu.memory_space<vmem>> -> memref<512x64xf32, #tpu.memory_space<vmem>>
      tpu.enqueue_dma source(%dma_start3A_224 : memref<512x64xf32, #tpu.memory_space<vmem>>) target(%dma_start3A_220 : memref<512x64xf32, #tpu.memory_space<hbm>>) target_semaphore(%dma_start3A_218 : memref<!tpu.dma_semaphore, #tpu.memory_space<semaphore_mem>>)
    }
    %scan3A_71 = arith.constant 200 : i32
    %rem3A_72 = arith.constant 197 : i32
    %rem3A_73 = arith.constant 3 : i32
    %rem3A_74 = arith.remsi %rem3A_72, %rem3A_73 : i32
    %add3A_75 = arith.constant 100864 : i32
    %add3A_76 = arith.addi %mul3A_2, %add3A_75 : i32
    %dma_wait3A = arith.constant 0 : i32
    %dma_wait3A_77 = arith.constant 0 : i32
    %dma_wait3A_78 = tpu.memref_slice %arg6[%rem3A_74, %dma_wait3A, %dma_wait3A_77] : memref<3x512x64xf32, #tpu.memory_space<vmem>> -> memref<1x512x64xf32, #tpu.memory_space<vmem>>
    %dma_wait3A_79 = tpu.memref_squeeze %dma_wait3A_78 : memref<1x512x64xf32, #tpu.memory_space<vmem>> -> memref<512x64xf32, #tpu.memory_space<vmem>>
    %dma_wait3A_80 = arith.constant 0 : i32
    %dma_wait3A_81 = tpu.memref_slice %arg4[%add3A_76, %dma_wait3A_80] : memref<3276800x128xf32, #tpu.memory_space<hbm>> -> memref<512x64xf32, #tpu.memory_space<hbm>>
    %dma_wait3A_82 = tpu.memref_slice %arg8[%rem3A_74] : memref<3x!tpu.dma_semaphore, #tpu.memory_space<semaphore_mem>> -> memref<1x!tpu.dma_semaphore, #tpu.memory_space<semaphore_mem>>
    %dma_wait3A_83 = tpu.memref_squeeze %dma_wait3A_82 : memref<1x!tpu.dma_semaphore, #tpu.memory_space<semaphore_mem>> -> memref<!tpu.dma_semaphore, #tpu.memory_space<semaphore_mem>>
    %dma_wait3A_84 = arith.constant 0 : i32
    %dma_wait3A_85 = tpu.memref_slice %arg4[%add3A_76, %dma_wait3A_84] : memref<3276800x128xf32, #tpu.memory_space<hbm>> -> memref<512x64xf32, #tpu.memory_space<hbm>>
    %dma_wait3A_86 = arith.constant 0 : i32
    %dma_wait3A_87 = arith.constant 0 : i32
    %dma_wait3A_88 = tpu.memref_slice %arg6[%rem3A_74, %dma_wait3A_86, %dma_wait3A_87] : memref<3x512x64xf32, #tpu.memory_space<vmem>> -> memref<1x512x64xf32, #tpu.memory_space<vmem>>
    %dma_wait3A_89 = tpu.memref_squeeze %dma_wait3A_88 : memref<1x512x64xf32, #tpu.memory_space<vmem>> -> memref<512x64xf32, #tpu.memory_space<vmem>>
    tpu.wait_dma2 semaphore(%dma_wait3A_83 : memref<!tpu.dma_semaphore, #tpu.memory_space<semaphore_mem>>) src(%dma_wait3A_89 : memref<512x64xf32, #tpu.memory_space<vmem>>) dst(%dma_wait3A_85 : memref<512x64xf32, #tpu.memory_space<hbm>>)
    %rem3A_90 = arith.constant 198 : i32
    %rem3A_91 = arith.constant 3 : i32
    %rem3A_92 = arith.remsi %rem3A_90, %rem3A_91 : i32
    %add3A_93 = arith.constant 101376 : i32
    %add3A_94 = arith.addi %mul3A_2, %add3A_93 : i32
    %dma_wait3A_95 = arith.constant 0 : i32
    %dma_wait3A_96 = arith.constant 0 : i32
    %dma_wait3A_97 = tpu.memref_slice %arg6[%rem3A_92, %dma_wait3A_95, %dma_wait3A_96] : memref<3x512x64xf32, #tpu.memory_space<vmem>> -> memref<1x512x64xf32, #tpu.memory_space<vmem>>
    %dma_wait3A_98 = tpu.memref_squeeze %dma_wait3A_97 : memref<1x512x64xf32, #tpu.memory_space<vmem>> -> memref<512x64xf32, #tpu.memory_space<vmem>>
    %dma_wait3A_99 = arith.constant 0 : i32
    %dma_wait3A_100 = tpu.memref_slice %arg4[%add3A_94, %dma_wait3A_99] : memref<3276800x128xf32, #tpu.memory_space<hbm>> -> memref<512x64xf32, #tpu.memory_space<hbm>>
    %dma_wait3A_101 = tpu.memref_slice %arg8[%rem3A_92] : memref<3x!tpu.dma_semaphore, #tpu.memory_space<semaphore_mem>> -> memref<1x!tpu.dma_semaphore, #tpu.memory_space<semaphore_mem>>
    %dma_wait3A_102 = tpu.memref_squeeze %dma_wait3A_101 : memref<1x!tpu.dma_semaphore, #tpu.memory_space<semaphore_mem>> -> memref<!tpu.dma_semaphore, #tpu.memory_space<semaphore_mem>>
    %dma_wait3A_103 = arith.constant 0 : i32
    %dma_wait3A_104 = tpu.memref_slice %arg4[%add3A_94, %dma_wait3A_103] : memref<3276800x128xf32, #tpu.memory_space<hbm>> -> memref<512x64xf32, #tpu.memory_space<hbm>>
    %dma_wait3A_105 = arith.constant 0 : i32
    %dma_wait3A_106 = arith.constant 0 : i32
    %dma_wait3A_107 = tpu.memref_slice %arg6[%rem3A_92, %dma_wait3A_105, %dma_wait3A_106] : memref<3x512x64xf32, #tpu.memory_space<vmem>> -> memref<1x512x64xf32, #tpu.memory_space<vmem>>
    %dma_wait3A_108 = tpu.memref_squeeze %dma_wait3A_107 : memref<1x512x64xf32, #tpu.memory_space<vmem>> -> memref<512x64xf32, #tpu.memory_space<vmem>>
    tpu.wait_dma2 semaphore(%dma_wait3A_102 : memref<!tpu.dma_semaphore, #tpu.memory_space<semaphore_mem>>) src(%dma_wait3A_108 : memref<512x64xf32, #tpu.memory_space<vmem>>) dst(%dma_wait3A_104 : memref<512x64xf32, #tpu.memory_space<hbm>>)
    %rem3A_109 = arith.constant 199 : i32
    %rem3A_110 = arith.constant 3 : i32
    %rem3A_111 = arith.remsi %rem3A_109, %rem3A_110 : i32
    %add3A_112 = arith.constant 101888 : i32
    %add3A_113 = arith.addi %mul3A_2, %add3A_112 : i32
    %dma_wait3A_114 = arith.constant 0 : i32
    %dma_wait3A_115 = arith.constant 0 : i32
    %dma_wait3A_116 = tpu.memref_slice %arg6[%rem3A_111, %dma_wait3A_114, %dma_wait3A_115] : memref<3x512x64xf32, #tpu.memory_space<vmem>> -> memref<1x512x64xf32, #tpu.memory_space<vmem>>
    %dma_wait3A_117 = tpu.memref_squeeze %dma_wait3A_116 : memref<1x512x64xf32, #tpu.memory_space<vmem>> -> memref<512x64xf32, #tpu.memory_space<vmem>>
    %dma_wait3A_118 = arith.constant 0 : i32
    %dma_wait3A_119 = tpu.memref_slice %arg4[%add3A_113, %dma_wait3A_118] : memref<3276800x128xf32, #tpu.memory_space<hbm>> -> memref<512x64xf32, #tpu.memory_space<hbm>>
    %dma_wait3A_120 = tpu.memref_slice %arg8[%rem3A_111] : memref<3x!tpu.dma_semaphore, #tpu.memory_space<semaphore_mem>> -> memref<1x!tpu.dma_semaphore, #tpu.memory_space<semaphore_mem>>
    %dma_wait3A_121 = tpu.memref_squeeze %dma_wait3A_120 : memref<1x!tpu.dma_semaphore, #tpu.memory_space<semaphore_mem>> -> memref<!tpu.dma_semaphore, #tpu.memory_space<semaphore_mem>>
    %dma_wait3A_122 = arith.constant 0 : i32
    %dma_wait3A_123 = tpu.memref_slice %arg4[%add3A_113, %dma_wait3A_122] : memref<3276800x128xf32, #tpu.memory_space<hbm>> -> memref<512x64xf32, #tpu.memory_space<hbm>>
    %dma_wait3A_124 = arith.constant 0 : i32
    %dma_wait3A_125 = arith.constant 0 : i32
    %dma_wait3A_126 = tpu.memref_slice %arg6[%rem3A_111, %dma_wait3A_124, %dma_wait3A_125] : memref<3x512x64xf32, #tpu.memory_space<vmem>> -> memref<1x512x64xf32, #tpu.memory_space<vmem>>
    %dma_wait3A_127 = tpu.memref_squeeze %dma_wait3A_126 : memref<1x512x64xf32, #tpu.memory_space<vmem>> -> memref<512x64xf32, #tpu.memory_space<vmem>>
    tpu.wait_dma2 semaphore(%dma_wait3A_121 : memref<!tpu.dma_semaphore, #tpu.memory_space<semaphore_mem>>) src(%dma_wait3A_127 : memref<512x64xf32, #tpu.memory_space<vmem>>) dst(%dma_wait3A_123 : memref<512x64xf32, #tpu.memory_space<hbm>>)
    return
  }
}

</mosaic_0001>

<sc_bundles>
// kernel: kernel.3.cloned.1.call-start
scs
__scs_entry_jumppad:
0x0: {  	(pc) =	sbr.rel $0x88, $3  }
0x1: {  	(tag) =	ssettag $0x0;
	lr =	simm.s32 $0x1  }
0x2: {  	[smem:$0x3F9F] =	sst lr;
	_ =	strace $0xD0000000  }
0x3: {  	_ = 	snop  }
0x4: {  	_ = 	snop  }
0x5: {  	_ = 	snop  }
0x6: {  	_ = 	snop  }
0x7: {  	_ = 	snop  }
__scs_overlays_trampoline_lowered:
0x8: {  	[smem:$0x3FAE] =	sst s0  }
0x9: {  	[smem:$0x3FAF] =	sst s1  }
0xa: {  	[smem:$0x3FB0] =	sst s2  }
0xb: {  	[smem:$0x3FB1] =	sst s3  }
0xc: {  	[smem:$0x3FB2] =	sst s4  }
0xd: {  	[smem:$0x3FB3] =	sst s5  }
0xe: {  	[smem:$0x3FB4] =	sst s6  }
0xf: {  	[smem:$0x3FB5] =	sst s7  }
0x10: {  	[smem:$0x3FB6] =	sst s8  }
0x11: {  	[smem:$0x3FB7] =	sst s9;
	s0 =	simm.s32 @!p0 $0x0  }
0x12: {  	s1 =	sld [smem:$0x3F9D];
	s0 =	simm.s32 @p0 $0x1  }
0x13: {  	[smem:$0x3FB8] =	sst s0;
	s0 =	simm.s32 @!p1 $0x0  }
0x14: {  	s2 =	sld [smem:$0x3F9C];
	s0 =	simm.s32 @p1 $0x1  }
0x15: {  	[smem:$0x3FB9] =	sst s0;
	s0 =	simm.s32 @!p2 $0x0  }
0x16: {  	s3 =	sld [smem:$0x3FDB];
	s0 =	simm.s32 @p2 $0x1  }
0x17: {  	s4 =	simm.s32 $0x1BF5;
	[smem:$0x3FBB] =	sst s0  }
0x18: {  	s0 =	sld [smem:$0x3F9E];
	_ =	swait.ge [sflag:s4], $0x0  }
0x19: {  	s7 =	sld [smem:$0x3F9F]  }
0x1a: {  	s8 =	sadd.s32 $0xFFFFE003, lr  }
0x1b: {  	s9 =	sadd.s32 $0xFFFFFEF7, lr;
	s5 =	simm.s32 $0xFFFFFFFF;
	p2 =	slt.u32 s8, $0xFFFFF086  }
0x1c: {  	p1 =	slt.u32 s9, $0xF7A;
	s5 =	simm.s32 @!p2 $0x0  }
0x1d: {  	s5 =	simm.s32 @p1 $0x1;
	p0 =	seq.s32 s7, s2  }
0x1e: {  	s7 =	smul.u32 @!p0 $0xF7A, s2;
	p2 =	seq.s32 @!p0 s5, $0x0  }
0x1f: {  	s9 =	smul.u32 $0xF7A, s1;
	s8 =	simm.s32 @!p0 $0x1BF5;
	p2 =	por !p2, p0  }
0x20: {  	[sflag:s8] =	ssyncset.s32 @!p0 $0xFFFFF086;
	s6 =	sadd.s32 @!p0 s3, s7;
	s7 =	simm.s32 @!p0 $0x108  }
0x21: {  	s3 =	sadd.s32 s3, s9;
	s6 =	sadd.s32 @!p0 $0x88, s6;
	s7 =	simm.s32 @p2 $0x1082  }
0x22: {  	[simem:s7], [sflag:s8] =	dma.local @!p0 [hbm:s6], $0xF7A  }
0x23: {  	s9 =	sor.u32 $0xD0000000, s2;
	s6 =	simm.s32 $0x108;
	_ =	swait.ge @!p0 [sflag:s8], $0x0  }
0x24: {  	s3 =	sadd.s32 $0x88, s3;
	s6 =	simm.s32 @!p1 $0x1082;
	[sflag:s4] =	ssyncset.s32 $0xFFFFF086  }
0x25: {  	[simem:s6], [sflag:s4] =	dma.local [hbm:s3], $0xF7A  }
0x26: {  	[smem:$0x3F9F] =	sst s1;
	(tag) =	ssettag s2;
	_ =	strace s9  }
0x27: {  	s1 =	sld [smem:$0x3FAF]  }
0x28: {  	s2 =	sld [smem:$0x3FB0]  }
0x29: {  	s4 =	sld [smem:$0x3FB2]  }
0x2a: {  	p0 =	seq.s32 s5, $0x0;
	s5 =	sld [smem:$0x3FB3]  }
0x2b: {  	s6 =	sld [smem:$0x3FB4]  }
0x2c: {  	s7 =	sld [smem:$0x3FB5]  }
0x2d: {  	s3 =	simm.s32 $0x108;
	s8 =	sld [smem:$0x3FB6]  }
0x2e: {  	s3 =	simm.s32 @!p0 $0x1082;
	s9 =	sld [smem:$0x3FB7]  }
0x2f: {  	lr =	sadd.s32 s0, s3;
	s0 =	sld [smem:$0x3FAE]  }
0x30: {  	s3 =	sld [smem:$0x3FB1]  }
0x31: {  	[smem:$0x3FBA] =	sst s10  }
0x32: {  	s10 =	sld [smem:$0x3FB8];
	_ =	sdelay $0x3  }
0x33: {  	p0 =	seq.s32 s10, $0x1;
	s10 =	sld [smem:$0x3FBA];
	_ =	sdelay $0x3  }
0x34: {  	[smem:$0x3FBA] =	sst s10  }
0x35: {  	s10 =	sld [smem:$0x3FB9];
	_ =	sdelay $0x3  }
0x36: {  	p1 =	seq.s32 s10, $0x1;
	s10 =	sld [smem:$0x3FBA];
	_ =	sdelay $0x3  }
0x37: {  	[smem:$0x3FBA] =	sst s10  }
0x38: {  	s10 =	sld [smem:$0x3FBB]  }
0x39: {  	_ = 	snop;
	(pc) =	sbr.ind lr, $3  }
0x3a: {  	_ = 	snop  }
0x3b: {  	_ = 	snop  }
0x3c: {  	p2 =	seq.s32 s10, $0x1;
	s10 =	sld [smem:$0x3FBA]  }
0x3d: {  	_ =	shalt  }
0x3e: {  	_ =	shalt  }
0x3f: {  	_ =	shalt  }
0x40: {  	_ =	shalt  }
0x41: {  	_ =	shalt  }
0x42: {  	_ =	shalt  }
0x43: {  	_ =	shalt  }
0x44: {  	_ =	shalt  }
0x45: {  	_ =	shalt  }
0x46: {  	_ =	shalt  }
0x47: {  	_ =	shalt  }
0x48: {  	_ =	shalt  }
0x49: {  	_ =	shalt  }
0x4a: {  	_ =	shalt  }
0x4b: {  	_ =	shalt  }
0x4c: {  	_ =	shalt  }
0x4d: {  	_ =	shalt  }
0x4e: {  	_ =	shalt  }
0x4f: {  	_ =	shalt  }
0x50: {  	_ =	shalt  }
0x51: {  	_ =	shalt  }
0x52: {  	_ =	shalt  }
0x53: {  	_ =	shalt  }
0x54: {  	_ =	shalt  }
0x55: {  	_ =	shalt  }
0x56: {  	_ =	shalt  }
0x57: {  	_ =	shalt  }
0x58: {  	_ =	shalt  }
0x59: {  	_ =	shalt  }
0x5a: {  	_ =	shalt  }
0x5b: {  	_ =	shalt  }
0x5c: {  	_ =	shalt  }
0x5d: {  	_ =	shalt  }
0x5e: {  	_ =	shalt  }
0x5f: {  	_ =	shalt  }
0x60: {  	_ =	shalt  }
0x61: {  	_ =	shalt  }
0x62: {  	_ =	shalt  }
0x63: {  	_ =	shalt  }
0x64: {  	_ =	shalt  }
0x65: {  	_ =	shalt  }
0x66: {  	_ =	shalt  }
0x67: {  	_ =	shalt  }
0x68: {  	_ =	shalt  }
0x69: {  	_ =	shalt  }
0x6a: {  	_ =	shalt  }
0x6b: {  	_ =	shalt  }
0x6c: {  	_ =	shalt  }
0x6d: {  	_ =	shalt  }
0x6e: {  	_ =	shalt  }
0x6f: {  	_ =	shalt  }
0x70: {  	_ =	shalt  }
0x71: {  	_ =	shalt  }
0x72: {  	_ =	shalt  }
0x73: {  	_ =	shalt  }
0x74: {  	_ =	shalt  }
0x75: {  	_ =	shalt  }
0x76: {  	_ =	shalt  }
0x77: {  	_ =	shalt  }
0x78: {  	_ =	shalt  }
0x79: {  	_ =	shalt  }
0x7a: {  	_ =	shalt  }
0x7b: {  	_ =	shalt  }
0x7c: {  	_ =	shalt  }
0x7d: {  	_ =	shalt  }
0x7e: {  	_ =	shalt  }
0x7f: {  	_ =	shalt  }
0x80: {  	_ =	shalt  }
0x81: {  	_ =	shalt  }
0x82: {  	_ =	shalt  }
0x83: {  	_ =	shalt  }
0x84: {  	_ =	shalt  }
0x85: {  	_ =	shalt  }
0x86: {  	_ =	shalt  }
0x87: {  	_ =	shalt  }
.Lfunc_end0:
.L_simem_size_0:
called_computation.1_lowered:
.L_overlay_start_0:
0x88: {  	s2 =	sld [smem:$0x3FD9]  }
0x89: {  	s3 =	sld [smem:$0x3FFE];
	_ =	sdelay $0x1  }
0x8a: {  	s1 =	srdreg.scid  }
0x8b: {  	s0 =	sand.u32 $0x1, s1  }
0x8c: {  	s16 =	sshll.u32 s0, $0xA;
	s2 =	sadd.s32 s3, s2  }
0x8d: {  	s2 =	sadd.s32 s2, s16  }
0x8e: {  	[smem:$0x3FC6] =	sst s2  }
0x8f: {  	_ = 	snop  }
0x90: {  	(tm) =	ssettm $0x1  }
0x91: {  	s17 =	sld [smem:$0x3FFB];
	_ =	sdelay $0x3  }
0x92: {  	_ =	strace s17  }
0x93: {  	s2 =	sld [smem:$0x3FFC];
	_ =	sdelay $0x3  }
0x94: {  	_ =	strace s2  }
0x95: {  	s2 =	sld [smem:$0x3FFD];
	_ =	sdelay $0x3  }
0x96: {  	_ =	strace s2  }
0x97: {  	_ =	strace $0x8FFFFFFF  }
0x98: {  	s18 =	sld [smem:$0x3FDB];
	_ =	sdelay $0x1  }
0x99: {  	s19 =	simm.s32 $_scs_section_size  }
0x9a: {  	s4 =	simm.s32 $_size__tile_overlayer_lowered;
	s5 =	simm.s32 $_tile_overlayer_lowered  }
0x9b: {  	s22 =	simm.s32 $0x1BFF;
	s21 =	sshll.u32 s5, $0x1;
	s2 =	sadd.s32 s19, s18  }
0x9c: {  	s6 =	simm.s32 $0x0;
	s20 =	sshll.u32 s4, $0x1;
	s4 =	sadd.s32 s21, s2  }
0x9d: {  	[timem:s6], [sflag:s22] =	dma.local [hbm:s4], s20  }
0x9e: {  	_ =	swait.ge [sflag:s22], s20  }
0x9f: {  	s3 =	ssub.s32 $0x0, s20;
	[sflag:s22] =	ssyncset.done $0x0  }
0xa0: {  	[sflag:s22] =	ssyncadd.s32 s3;
	_ =	sdelay $0x1  }
0xa1: {  	s23 =	simm.s32 $0x1B8B  }
0xa2: {  	_ =	swait.ge [sflag:s23], $0x1  }
0xa3: {  	[sflag:s23] =	ssyncset.done $0x0  }
0xa4: {  	s25 =	simm.s32 $0x1B8E;
	s24 =	sld [smem:$0x3FFE];
	[sflag:s23] =	ssyncadd.s32 $0xFFFFFFFF  }
0xa5: {  	s26 =	simm.s32 $execute0_lowered;
	[smem:$0x3FD2] =	sst s25  }
0xa6: {  	s4 =	sshll.u32 s26, $0x1;
	_ =	strace $0x80000046;
	[dreg:$0x1] =	wrdreg $0xFFFFFFFF  }
0xa7: {  	s28 =	simm.s32 $_size_execute0_lowered;
	s2 =	sadd.s32 s2, s4;
	[dreg:$0x0] =	wrdreg $0x0  }
0xa8: {  	s4 =	sshll.u32 s28, $0x1;
	[dreg:$0x2] =	wrdreg s2  }
0xa9: {  	[dreg:$0x3] =	wrdreg s4  }
0xaa: {  	[dreg:$0x4] =	wrdreg $0xC0  }
0xab: {  	_ =	task [dreg:s6], $0x5FFFF  }
0xac: {  	[dreg:$0x1] =	wrdreg $0xFFFFFFFF  }
0xad: {  	[dreg:$0x0] =	wrdreg $0x60  }
0xae: {  	[dreg:$0x2] =	wrdreg s24  }
0xaf: {  	[dreg:$0x3] =	wrdreg $0x9  }
0xb0: {  	_ =	task.clear_ibuf [dreg:s6], $0x4FFFF;
	_ =	strace $0x90000046  }
0xb1: {  	s29 =	simm.s32 $0x9;
	_ =	strace $0x80000048  }
0xb2: {  	_ =	swait.ge [sflag:s29], $0x1  }
0xb3: {  	[sflag:s29] =	ssyncadd.s32 $0xFFFFFFFF  }
0xb4: {  	_ =	strace $0x90000048  }
0xb5: {  	_ =	sfence  }
0xb6: {  	s30 =	sld [smem:$0x0];
	_ =	sdelay $0x2  }
0xb7: {  	s31 =	sshll.u32 s1, $0xD;
	s1 =	sshrl.u32 s1, $0x2  }
0xb8: {  	s3 =	sand.u32 $0x4000, s31;
	s1 =	sadd.s32 s1, s30  }
0xb9: {  	s0 =	sor.u32 s3, s0;
	s1 =	sshll.u32 s1, $0x11  }
0xba: {  	s0 =	sor.u32 s1, s0  }
0xbb: {  	s0 =	sadd.s32 $0x8F2B, s0  }
0xbc: {  	[sflag:s0] =	ssyncadd.remote.s32 $0x1  }
0xbd: {  	_ =	sfence.sel $0xFFFF  }
0xbe: {  	[dreg:$0x0] =	wrdreg $0xFFFFFFFF;
	(pc) =	sbr.abs _section_cstart, $3  }
0xbf: {  	[dreg:$0x1] =	wrdreg $0xFFFFFFFF  }
0xc0: {  	_ =	task.clear_ibuf [dreg:s6], $0x2FFFF;
	_ =	strace $0x9FFFFFFF  }
0xc1: {  	(tm) =	ssettm $0x7FFFFFFF  }
tec
execute0_lowered:
.L_overlay_start_1:
0x0: {  	(tag) =	ssettag $0x1  }
0x1: {  	s0 =	rddreg [dreg:$0x0];
	s3 =	srdreg.scid  }
0x2: {  	s1 =	stileid.u32;
	s2 =	simm.s32 $0x0;
	s31 =	simm.s32 $0x40  }
0x3: {  	s16 =	simm.s32 $0x1;
	s17 =	simm.s32 $0x4;
	s18 =	simm.s32 $0x2  }
0x4: {  	s19 =	simm.s32 $0x3;
	s20 =	simm.s32 $0x0;
	s28 =	smul.u32 $0x1900000, s1  }
0x5: {  	s4 =	sand.u32 $0x1, s3;
	[smem:$0x7FF] =	sst s2;
	s6 =	smul.u32 $0x32000, s1  }
0x6: {  	s7 =	sadd.s32 $0x800, s0;
	s8 =	sshll.u32 s1, $0x1;
	s5 =	smul.u32 $0xC80000, s4  }
0x7: {  	s3 =	sadd.s32 $0x64800, s0;
	_ =	strace $0x80000047;
	s9 =	smul.u32 $0x19000, s4  }
0x8: {  	s8 =	sor.u32 s4, s8;
	s4 =	ssub.s32 $0x2, s4;
	[dreg:$0x2] =	wrdreg s31  }
0x9: {  	s8 =	smul.u32 $0x3200, s8;
	s29 =	sshrl.u32 s4, $0x1;
	s5 =	sadd.s32 s5, s28  }
0xa: {  	s6 =	sadd.s32 s9, s6;
	s9 =	simm.s32 $0x80;
	s5 =	sshrl.u32 s5, $0x3  }
0xb: {  	s6 =	sor.u32 $0x200, s6;
	s0 =	sadd.s32 s5, s0;
	s5 =	ssub.s32 s4, s29  }
0xc: {  	s4 =	sadd.s32 s7, s8;
	s30 =	sshrl.u32 s6, $0x3;
	s8 =	simm.s32 $0x5  }
0xd: {  	s5 =	smax.u32 s5, $0x1;
	s6 =	sadd.s32 $0x805A00, s0;
	s7 =	sadd.s32 s30, s7  }
.LBB2_1:
0xe: {  	s0 =	simm.s32 $0x0  }
0xf: {  	s1 =	simm.s32 $0x2000;
	s23 =	simm.s32 $0x4000;
	s24 =	simm.s32 $0x100  }
0x10: {  	[tilespmem:s0], [sflag:$0x5] =	stream.linear.gather [hbm4b:s4+s0], $0x1000, $0x38;
	[tilespmem:$0x1A000] =	vst v63  }
0x11: {  	s25 =	simm.s32 $0x6000;
	s26 =	simm.s32 $0x180;
	_ =	swait.ge [sflag:s8], $0x1000  }
0x12: {  	s31 =	simm.s32 $0x8000;
	s21 =	simm.s32 $0x1;
	[sflag:s8] =	ssyncset.done $0x0  }
0x13: {  	p0 =	por $0x0, $0x0;
	s22 =	simm.s32 $0x200;
	[sflag:s8] =	ssyncadd.s32 $0xFFFFF000  }
0x14: {  	[tilespmem:s1], [sflag:$0x1] =	stream.indirect.gather [hbm4b:s3+s9], $0x40, s0, s9, $0xb8;
	[tilespmem:$0x1A000] =	vst v63  }
0x15: {  	p1 =	por @!p0 $0x1, $0x1;
	s22 =	sand.u32 @!p0 $0x1000, s22;
	s0 =	sand.u32 @!p0 $0xFF, s21  }
0x16: {  	[tilespmem:s23], [sflag:$0x1] =	stream.indirect.gather [hbm4b:s3+s9], $0x40, s9, s9, $0xb8;
	[tilespmem:$0x1A000] =	vst v63  }
0x17: {  	s30 =	simm.s32 @!p0 $0x80;
	p1 =	por p1, p0;
	s0 =	smul.u32 @!p0 $0xAB, s0  }
0x18: {  	[tilespmem:s25], [sflag:$0x1] =	stream.indirect.gather [hbm4b:s3+s9], $0x40, s24, s9, $0xb8;
	[tilespmem:$0x1A000] =	vst v63  }
0x19: {  	s23 =	simm.s32 $0x800;
	s0 =	sshrl.u32 @!p0 s0, $0x9;
	s25 =	simm.s32 @!p1 $0xFFFFFFFE  }
0x1a: {  	s24 =	sand.u32 @!p0 $0x7, s21;
	s0 =	smul.u32 @!p0 $0x3, s0;
	s25 =	sand.u32 @!p1 $0xFF, s25  }
0x1b: {  	[tilespmem:s31], [sflag:$0x1] =	stream.indirect.gather [hbm4b:s3+s9], $0x40, s26, s9, $0xb8;
	[tilespmem:$0x1A000] =	vst v63  }
0x1c: {  	p2 =	sne.s32 @!p0 s24, $0x0;
	s24 =	sshll.u32 @!p0 s24, $0x9;
	s25 =	smul.u32 @!p1 $0xAB, s25  }
0x1d: {  	p2 =	por p2, p0;
	s0 =	ssub.s32 @!p0 $0x1, s0;
	s22 =	sor.u32 @!p0 s24, s22  }
0x1e: {  	s23 =	sand.u32 @!p2 $0x4000, s23;
	s26 =	simm.s32 @!p2 $0x5;
	s25 =	sshrl.u32 @!p1 s25, $0x9  }
0x1f: {  	s28 =	simm.s32 @!p2 $0x0;
	s23 =	sshrl.u32 @!p2 s23, $0x2;
	s25 =	smul.u32 @!p1 $0x3, s25  }
0x20: {  	[tilespmem:s23], [sflag:$0x5] =	stream.linear.gather @!p2 [hbm4b:s7+s28], $0x1000, $0x38;
	[tilespmem:$0x1A000] =	vst v63  }
0x21: {  	s0 =	sand.u32 @!p0 $0xFF, s0;
	_ =	swait.ge @!p2 [sflag:s26], $0x1000;
	s23 =	ssub.s32 @!p1 $0xFFFFFFFE, s25  }
0x22: {  	s24 =	sor.u32 @!p0 $0x80, s22;
	[sflag:s26] =	ssyncset.done @!p2 $0x0;
	s23 =	sand.u32 @!p1 $0xFF, s23  }
0x23: {  	s31 =	sor.u32 @!p0 $0x100, s22;
	[sflag:s26] =	ssyncadd.s32 @!p2 $0xFFFFF000;
	s26 =	sadd.s32 @!p1 $0x2, s23  }
0x24: {  	s1 =	sor.u32 @!p0 $0x180, s22;
	s0 =	sshll.u32 @!p0 s0, $0xF;
	_ =	swait.ge @!p1 [sflag:s26], $0x8000  }
0x25: {  	s28 =	sor.u32 @!p0 $0x4000, s0;
	s29 =	sor.u32 @!p0 $0x6000, s0;
	[sflag:s26] =	ssyncset.done @!p1 $0x0  }
0x26: {  	s25 =	sor.u32 @!p0 $0x2000, s0;
	s0 =	sadd.s32 @!p0 $0x8000, s0;
	[sflag:s26] =	ssyncadd.s32 @!p1 $0xFFFF8000  }
0x27: {  	[tilespmem:s25], [sflag:$0x1] =	stream.indirect.gather @!p0 [hbm4b:s3+s30], $0x40, s22, s30, $0xb8;
	[tilespmem:$0x1A000] =	vst v63  }
0x28: {  	s23 =	simm.s32 $0x2;
	p1 =	por p0, p0;
	p0 =	por $0x0, $0x0  }
0x29: {  	[tilespmem:s28], [sflag:$0x1] =	stream.indirect.gather @!p1 [hbm4b:s3+s30], $0x40, s24, s30, $0xb8;
	[tilespmem:$0x1A000] =	vst v63  }
0x2a: {  	s26 =	simm.s32 $0x1000;
	s25 =	sadd.s32 $0x40, s7;
	s28 =	sand.u32 @!p0 $0x7, s23  }
0x2b: {  	[tilespmem:s29], [sflag:$0x1] =	stream.indirect.gather @!p1 [hbm4b:s3+s30], $0x40, s31, s30, $0xb8;
	[tilespmem:$0x1A000] =	vst v63  }
0x2c: {  	s22 =	sadd.s32 $0x2000, s6;
	s24 =	simm.s32 $0x400;
	p2 =	sne.s32 @!p0 s28, $0x0  }
0x2d: {  	[tilespmem:s0], [sflag:$0x1] =	stream.indirect.gather @!p1 [hbm4b:s3+s30], $0x40, s1, s30, $0xb8;
	[tilespmem:$0x1A000] =	vst v63  }
0x2e: {  	s28 =	sshll.u32 @!p0 s28, $0x9;
	s29 =	smov.u32 s6;
	p1 =	por @!p0 $0x1, $0x1  }
0x2f: {  	s0 =	sand.u32 @!p0 $0xFF, s23;
	s30 =	simm.s32 $0x0;
	p1 =	por p1, p0  }
.LBB2_2:
0x30: {  	s1 =	sadd.s32 @!p1 $0xFFFFFFFE, s21  }
0x31: {  	_ =	swait.ge [sflag:s16], $0x2000;
	s10 =	smul.u32 $0xAB, s30;
	s31 =	smov.u32 s23  }
0x32: {  	s0 =	smul.u32 @!p0 $0xAB, s0;
	s12 =	sand.u32 @!p0 $0x1000, s24;
	p2 =	por p2, p0  }
0x33: {  	p4 =	por p0, p0;
	s24 =	sadd.s32 $0x200, s24;
	s11 =	sand.u32 @!p1 $0xFF, s1  }
0x34: {  	[sflag:s16] =	ssyncset.done $0x0;
	s13 =	sand.u32 @!p2 $0x4000, s26;
	s26 =	sadd.s32 $0x800, s26  }
0x35: {  	[sflag:s16] =	ssyncadd.s32 $0xFFFFE000;
	s10 =	sshrl.u32 s10, $0x9;
	s11 =	smul.u32 @!p1 $0xAB, s11  }
0x36: {  	s0 =	sshrl.u32 @!p0 s0, $0x9;
	s13 =	sshrl.u32 @!p2 s13, $0x2;
	_ =	swait.ge [sflag:s16], $0x2000  }
0x37: {  	s10 =	sand.u32 $0x7F, s10;
	s0 =	smul.u32 @!p0 $0x3, s0;
	[sflag:s16] =	ssyncset.done $0x0  }
0x38: {  	s10 =	smul.u32 $0x3, s10;
	s11 =	sshrl.u32 @!p1 s11, $0x9;
	[sflag:s16] =	ssyncadd.s32 $0xFFFFE000  }
0x39: {  	s0 =	ssub.s32 @!p0 s23, s0;
	s11 =	smul.u32 @!p1 $0x3, s11;
	_ =	swait.ge [sflag:s16], $0x2000  }
0x3a: {  	s23 =	sadd.s32 $0x1, s23;
	s10 =	ssub.s32 s30, s10;
	[sflag:s16] =	ssyncset.done $0x0  }
0x3b: {  	s0 =	sand.u32 @!p0 $0xFF, s0;
	p3 =	sne.s32 s23, $0xC8;
	[sflag:s16] =	ssyncadd.s32 $0xFFFFE000  }
0x3c: {  	s10 =	sand.u32 $0xFF, s10;
	s0 =	sshll.u32 @!p0 s0, $0xF;
	_ =	swait.ge [sflag:s16], $0x2000  }
0x3d: {  	s30 =	sshll.u32 s10, $0xF;
	s10 =	sadd.s32 $0x2, s10;
	[sflag:s16] =	ssyncset.done $0x0  }
0x3e: {  	s30 =	sor.u32 $0x2000, s30;
	s14 =	rddreg [dreg:$0x2];
	[sflag:s16] =	ssyncadd.s32 $0xFFFFE000  }
0x3f: {  	[hbm4b:s29+s14] =	stream.strided.scatter [tilespmem:s30], [sflag:s10], $0x8000, s9, s14, $0x38;
	[tilespmem:$0x1A000] =	vst v63  }
0x40: {  	s1 =	ssub.s32 @!p1 s1, s11;
	s10 =	simm.s32 @!p2 $0x5;
	s14 =	simm.s32 @!p2 $0x0  }
0x41: {  	[tilespmem:s13], [sflag:$0x5] =	stream.linear.gather @!p2 [hbm4b:s25+s14], $0x1000, $0x38;
	[tilespmem:$0x1A000] =	vst v63  }
0x42: {  	s15 =	sor.u32 @!p0 $0x2000, s0;
	s1 =	sand.u32 @!p1 $0xFF, s1;
	_ =	swait.ge @!p2 [sflag:s10], $0x1000  }
0x43: {  	s11 =	sor.u32 @!p0 $0x4000, s0;
	s1 =	sadd.s32 @!p1 $0x2, s1;
	[sflag:s10] =	ssyncset.done @!p2 $0x0  }
0x44: {  	s30 =	smov.u32 s21;
	s21 =	smov.u32 s31;
	[sflag:s10] =	ssyncadd.s32 @!p2 $0xFFFFF000  }
0x45: {  	s29 =	smov.u32 s22;
	s22 =	sadd.s32 $0x2000, s22;
	_ =	swait.ge @!p1 [sflag:s1], $0x8000  }
0x46: {  	s13 =	sor.u32 @!p0 $0x6000, s0;
	s14 =	sadd.s32 @!p0 $0x8000, s0;
	[sflag:s1] =	ssyncset.done @!p1 $0x0  }
0x47: {  	s0 =	sor.u32 @!p0 s28, s12;
	[sflag:s1] =	ssyncadd.s32 @!p1 $0xFFFF8000;
	s1 =	simm.s32 @!p0 $0x80  }
0x48: {  	[tilespmem:s15], [sflag:$0x1] =	stream.indirect.gather @!p0 [hbm4b:s3+s1], $0x40, s0, s1, $0xb8;
	[tilespmem:$0x1A000] =	vst v63  }
0x49: {  	s25 =	sadd.s32 $0x40, s25;
	s12 =	sor.u32 @!p0 $0x100, s0;
	s10 =	sor.u32 @!p0 $0x80, s0  }
0x4a: {  	[tilespmem:s11], [sflag:$0x1] =	stream.indirect.gather @!p4 [hbm4b:s3+s1], $0x40, s10, s1, $0xb8;
	[tilespmem:$0x1A000] =	vst v63  }
.Ltmp0:
0x4b: {  	s2 =	sor.u32 @!p0 $0x180, s0;
	p0 =	seq.s32 s21, $0xC7;
	(pc) =	sbr.rel @p3 .LBB2_2-.Ltmp0, $4  }
0x4c: {  	p1 =	slt.u32 @!p0 s21, $0x2;
	s0 =	sand.u32 @!p0 $0xFF, s23;
	s10 =	sand.u32 @!p0 $0x7, s23  }
0x4d: {  	[tilespmem:s13], [sflag:$0x1] =	stream.indirect.gather @!p4 [hbm4b:s3+s1], $0x40, s12, s1, $0xb8;
	[tilespmem:$0x1A000] =	vst v63  }
0x4e: {  	p1 =	por p1, p0;
	p2 =	sne.s32 @!p0 s10, $0x0;
	s28 =	sshll.u32 @!p0 s10, $0x9  }
0x4f: {  	[tilespmem:s14], [sflag:$0x1] =	stream.indirect.gather @!p4 [hbm4b:s3+s1], $0x40, s2, s1, $0xb8;
	[tilespmem:$0x1A000] =	vst v63  }
0x50: {  	_ =	swait.ge [sflag:s16], $0x2000  }
0x51: {  	[sflag:s16] =	ssyncset.done $0x0  }
0x52: {  	s1 =	smul.u32 $0xAB, s30;
	[sflag:s16] =	ssyncadd.s32 $0xFFFFE000  }
0x53: {  	s2 =	sadd.s32 @!p1 $0xFFFFFFFE, s21;
	s0 =	smul.u32 @!p0 $0xAB, s0;
	_ =	swait.ge [sflag:s16], $0x2000  }
0x54: {  	p2 =	por p2, p0;
	s1 =	sshrl.u32 s1, $0x9;
	[sflag:s16] =	ssyncset.done $0x0  }
0x55: {  	s10 =	sand.u32 @!p1 $0xFF, s2;
	s1 =	sand.u32 $0x7F, s1;
	[sflag:s16] =	ssyncadd.s32 $0xFFFFE000  }
0x56: {  	s11 =	sand.u32 @!p2 $0x4000, s26;
	s1 =	smul.u32 $0x3, s1;
	_ =	swait.ge [sflag:s16], $0x2000  }
0x57: {  	s10 =	smul.u32 @!p1 $0xAB, s10;
	s0 =	sshrl.u32 @!p0 s0, $0x9;
	[sflag:s16] =	ssyncset.done $0x0  }
0x58: {  	s11 =	sshrl.u32 @!p2 s11, $0x2;
	s1 =	ssub.s32 s30, s1;
	[sflag:s16] =	ssyncadd.s32 $0xFFFFE000  }
0x59: {  	s10 =	sshrl.u32 @!p1 s10, $0x9;
	s1 =	sand.u32 $0xFF, s1;
	_ =	swait.ge [sflag:s16], $0x2000  }
0x5a: {  	s13 =	sshll.u32 s1, $0xF;
	s1 =	sadd.s32 $0x2, s1;
	[sflag:s16] =	ssyncset.done $0x0  }
0x5b: {  	s13 =	sor.u32 $0x2000, s13;
	s12 =	rddreg [dreg:$0x2];
	[sflag:s16] =	ssyncadd.s32 $0xFFFFE000  }
0x5c: {  	[hbm4b:s29+s12] =	stream.strided.scatter [tilespmem:s13], [sflag:s1], $0x8000, s9, s12, $0x38;
	[tilespmem:$0x1A000] =	vst v63  }
0x5d: {  	s1 =	smul.u32 @!p1 $0x3, s10;
	s10 =	simm.s32 @!p2 $0x5;
	s12 =	simm.s32 @!p2 $0x0  }
0x5e: {  	[tilespmem:s11], [sflag:$0x5] =	stream.linear.gather @!p2 [hbm4b:s25+s12], $0x1000, $0x38;
	[tilespmem:$0x1A000] =	vst v63  }
0x5f: {  	s0 =	smul.u32 @!p0 $0x3, s0;
	s1 =	ssub.s32 @!p1 s2, s1;
	_ =	swait.ge @!p2 [sflag:s10], $0x1000  }
0x60: {  	s1 =	sand.u32 @!p1 $0xFF, s1;
	[sflag:s10] =	ssyncset.done @!p2 $0x0  }
0x61: {  	s0 =	ssub.s32 @!p0 s23, s0;
	s1 =	sadd.s32 @!p1 $0x2, s1;
	[sflag:s10] =	ssyncadd.s32 @!p2 $0xFFFFF000  }
0x62: {  	s0 =	sand.u32 @!p0 $0xFF, s0;
	s2 =	sand.u32 @!p0 $0x1000, s24;
	_ =	swait.ge @!p1 [sflag:s1], $0x8000  }
0x63: {  	s0 =	sshll.u32 @!p0 s0, $0xF;
	s2 =	sor.u32 @!p0 s28, s2;
	[sflag:s1] =	ssyncset.done @!p1 $0x0  }
0x64: {  	s10 =	sor.u32 @!p0 $0x2000, s0;
	[sflag:s1] =	ssyncadd.s32 @!p1 $0xFFFF8000;
	s1 =	simm.s32 @!p0 $0x80  }
0x65: {  	[tilespmem:s10], [sflag:$0x1] =	stream.indirect.gather @!p0 [hbm4b:s3+s1], $0x40, s2, s1, $0xb8;
	[tilespmem:$0x1A000] =	vst v63  }
0x66: {  	s11 =	sor.u32 @!p0 $0x80, s2;
	p1 =	por p0, p0;
	s10 =	sor.u32 @!p0 $0x4000, s0  }
0x67: {  	[tilespmem:s10], [sflag:$0x1] =	stream.indirect.gather @!p1 [hbm4b:s3+s1], $0x40, s11, s1, $0xb8;
	[tilespmem:$0x1A000] =	vst v63  }
0x68: {  	s10 =	sor.u32 @!p0 $0x6000, s0;
	s11 =	sor.u32 @!p0 $0x100, s2  }
0x69: {  	[tilespmem:s10], [sflag:$0x1] =	stream.indirect.gather @!p1 [hbm4b:s3+s1], $0x40, s11, s1, $0xb8;
	[tilespmem:$0x1A000] =	vst v63  }
0x6a: {  	s0 =	sadd.s32 @!p0 $0x8000, s0;
	s2 =	sor.u32 @!p0 $0x180, s2  }
0x6b: {  	[tilespmem:s0], [sflag:$0x1] =	stream.indirect.gather @!p1 [hbm4b:s3+s1], $0x40, s2, s1, $0xb8;
	[tilespmem:$0x1A000] =	vst v63  }
0x6c: {  	_ =	swait.ge [sflag:s16], $0x2000  }
0x6d: {  	[sflag:s16] =	ssyncset.done $0x0  }
0x6e: {  	s29 =	smul.u32 $0xAB, s21;
	[sflag:s16] =	ssyncadd.s32 $0xFFFFE000  }
0x6f: {  	_ =	swait.ge [sflag:s16], $0x2000  }
0x70: {  	s0 =	sshrl.u32 s29, $0x9;
	[sflag:s16] =	ssyncset.done $0x0  }
0x71: {  	s0 =	sand.u32 $0x7F, s0;
	[sflag:s16] =	ssyncadd.s32 $0xFFFFE000  }
0x72: {  	s0 =	smul.u32 $0x3, s0;
	_ =	swait.ge [sflag:s16], $0x2000  }
0x73: {  	[sflag:s16] =	ssyncset.done $0x0  }
0x74: {  	s0 =	ssub.s32 s21, s0;
	[sflag:s16] =	ssyncadd.s32 $0xFFFFE000  }
0x75: {  	s0 =	sand.u32 $0xFF, s0;
	_ =	swait.ge [sflag:s16], $0x2000  }
0x76: {  	s31 =	sshll.u32 s0, $0xF;
	s0 =	sadd.s32 $0x2, s0;
	[sflag:s16] =	ssyncset.done $0x0  }
0x77: {  	s2 =	sor.u32 $0x2000, s31;
	s30 =	rddreg [dreg:$0x2];
	[sflag:s16] =	ssyncadd.s32 $0xFFFFE000  }
0x78: {  	[hbm4b:s22+s30] =	stream.strided.scatter [tilespmem:s2], [sflag:s0], $0x8000, s9, s30, $0x38;
	[tilespmem:$0x1A000] =	vst v63  }
0x79: {  	_ =	swait.ge [sflag:s17], $0x8000  }
0x7a: {  	[sflag:s17] =	ssyncset.done $0x0  }
0x7b: {  	s20 =	sadd.s32 $0x1, s20;
	[sflag:s17] =	ssyncadd.s32 $0xFFFF8000  }
0x7c: {  	p0 =	sne.s32 s20, s5;
	_ =	swait.ge [sflag:s18], $0x8000  }
.Ltmp1:
0x7d: {  	[sflag:s18] =	ssyncset.done $0x0;
	(pc) =	sbr.rel @p0 .LBB2_1-.Ltmp1, $4  }
0x7e: {  	[sflag:s18] =	ssyncadd.s32 $0xFFFF8000  }
0x7f: {  	_ =	swait.ge [sflag:s19], $0x8000  }
0x80: {  	[sflag:s19] =	ssyncset.done $0x0  }
0x81: {  	[sflag:s19] =	ssyncadd.s32 $0xFFFF8000  }
0x82: {  	_ =	sfence.sel $0x180000  }
0x83: {  	[bflag:$0x0] =	sbarrier.arrive $0xFFFF  }
0x84: {  	_ =	strace $0x90000047  }
0x85: {  	s0 =	stileid.u32;
	[bflag:$0x2] =	sbarrier.arrive $0xFFFF  }
0x86: {  	p0 =	sne.s32 s0, $0x0;
	s0 =	rddreg [dreg:$0x1]  }
0x87: {  	s0 =	sadd.s32 @!p0 $0x100000, s0  }
0x88: {  	[sflag:s0] =	ssyncadd.tile.s32 @!p0 $0x1;
	_ =	shalt  }
.Lfunc_end2:
_tile_overlayer_lowered:
.L_overlay_start_2:
0x89: {  	(tag) =	ssettag $0x2  }
0x8a: {  	s0 =	rddreg [dreg:$0x0];
	s2 =	stileid.u32  }
0x8b: {  	s1 =	rddreg [dreg:$0x1];
	p0 =	sne.s32 s2, $0x0  }
0x8c: {  	s3 =	rddreg [dreg:$0x2];
	[bflag:$0x3] =	sbarrier.arrive $0xFFFF;
	s2 =	simm.s32 @!p0 $0x1C05  }
0x8d: {  	[timem:s3], [sflag:s2] =	dma.local @!p0 [hbm:s0], s1  }
0x8e: {  	s0 =	simm.s32 @!p0 $0x5  }
0x8f: {  	_ =	swait.ge @!p0 [sflag:s0], s1  }
0x90: {  	s1 =	ssub.s32 @!p0 $0x0, s1;
	[sflag:s0] =	ssyncset.done @!p0 $0x0  }
0x91: {  	[sflag:s0] =	ssyncadd.s32 @!p0 s1  }
0x92: {  	[bflag:$0x3] =	sbarrier.arrive $0xFFFF  }
0x93: {  	_ =	shalt  }

// kernel: sparse-core-data-format-call.cloned.1.call-start
scs
called_computation_lowered:
.L_overlay_start_0:
0x0: {  	s2 =	sld [smem:$0x3FD9]  }
0x1: {  	s3 =	sld [smem:$0x3FFE];
	_ =	sdelay $0x1  }
0x2: {  	s1 =	srdreg.scid  }
0x3: {  	s0 =	sand.u32 $0x1, s1  }
0x4: {  	s18 =	sshll.u32 s0, $0xA;
	s2 =	sadd.s32 s3, s2  }
0x5: {  	s2 =	sadd.s32 s2, s18  }
0x6: {  	[smem:$0x3FC6] =	sst s2  }
0x7: {  	_ = 	snop  }
0x8: {  	s2 =	sld [smem:$0x3FD0];
	(tm) =	ssettm $0x1  }
0x9: {  	s19 =	sld [smem:$0x3FFB];
	_ =	sdelay $0x3  }
0xa: {  	_ =	strace s19  }
0xb: {  	s3 =	sld [smem:$0x3FFC];
	_ =	sdelay $0x3  }
0xc: {  	_ =	strace s3  }
0xd: {  	s3 =	sld [smem:$0x3FFD];
	_ =	sdelay $0x3  }
0xe: {  	_ =	strace s3  }
0xf: {  	_ =	strace $0x8FFFFFFF  }
0x10: {  	s20 =	sld [smem:$0x3FDB];
	_ =	sdelay $0x1  }
0x11: {  	s4 =	simm.s32 $_scs_section_size  }
0x12: {  	s5 =	simm.s32 $_size__tile_overlayer_lowered;
	s6 =	simm.s32 $_tile_overlayer_lowered  }
0x13: {  	s23 =	simm.s32 $0x1BFF;
	s22 =	sshll.u32 s6, $0x1;
	s3 =	sadd.s32 s4, s20  }
0x14: {  	s7 =	simm.s32 $0x0;
	s21 =	sshll.u32 s5, $0x1;
	s5 =	sadd.s32 s22, s3  }
0x15: {  	[timem:s7], [sflag:s23] =	dma.local [hbm:s5], s21  }
0x16: {  	_ =	swait.ge [sflag:s23], s21  }
0x17: {  	s4 =	ssub.s32 $0x0, s21;
	[sflag:s23] =	ssyncset.done $0x0  }
0x18: {  	[sflag:s23] =	ssyncadd.s32 s4;
	_ =	sdelay $0x1  }
0x19: {  	s24 =	simm.s32 $0x1B8B  }
0x1a: {  	_ =	swait.ge [sflag:s24], $0x1  }
0x1b: {  	[sflag:s24] =	ssyncset.done $0x0  }
0x1c: {  	s26 =	simm.s32 $0x1B8E;
	s25 =	sld [smem:$0x3FFE];
	[sflag:s24] =	ssyncadd.s32 $0xFFFFFFFF  }
0x1d: {  	s27 =	simm.s32 $execute0_lowered;
	[smem:$0x3FD2] =	sst s26  }
0x1e: {  	s5 =	sshll.u32 s27, $0x1;
	_ =	strace $0x80000049;
	[dreg:$0x1] =	wrdreg $0xFFFFFFFF  }
0x1f: {  	s28 =	simm.s32 $_size_execute0_lowered;
	s3 =	sadd.s32 s3, s5;
	[dreg:$0x0] =	wrdreg $0x0  }
0x20: {  	s5 =	sshll.u32 s28, $0x1;
	[dreg:$0x2] =	wrdreg s3  }
0x21: {  	[dreg:$0x3] =	wrdreg s5  }
0x22: {  	[dreg:$0x4] =	wrdreg $0xC0  }
0x23: {  	_ =	task [dreg:s7], $0x5FFFF  }
0x24: {  	[dreg:$0x1] =	wrdreg $0xFFFFFFFF  }
0x25: {  	[dreg:$0x0] =	wrdreg $0x60  }
0x26: {  	[dreg:$0x2] =	wrdreg s25  }
0x27: {  	[dreg:$0x3] =	wrdreg s2  }
0x28: {  	[dreg:$0x4] =	wrdreg $0x9  }
0x29: {  	_ =	task.clear_ibuf [dreg:s7], $0x5FFFF;
	_ =	strace $0x90000049  }
0x2a: {  	s29 =	simm.s32 $0x9;
	_ =	strace $0x8000004B  }
0x2b: {  	_ =	swait.ge [sflag:s29], $0x1  }
0x2c: {  	[sflag:s29] =	ssyncadd.s32 $0xFFFFFFFF  }
0x2d: {  	_ =	strace $0x9000004B  }
0x2e: {  	_ =	sfence  }
0x2f: {  	s30 =	sld [smem:$0x0];
	_ =	sdelay $0x2  }
0x30: {  	s31 =	sshll.u32 s1, $0xD;
	s1 =	sshrl.u32 s1, $0x2  }
0x31: {  	s3 =	sand.u32 $0x4000, s31;
	s1 =	sadd.s32 s1, s30  }
0x32: {  	s0 =	sor.u32 s3, s0;
	s1 =	sshll.u32 s1, $0x11  }
0x33: {  	s0 =	sor.u32 s1, s0  }
0x34: {  	s0 =	sadd.s32 $0x8F2B, s0  }
0x35: {  	[sflag:s0] =	ssyncadd.remote.s32 $0x1  }
0x36: {  	_ =	sfence.sel $0xFFFF  }
0x37: {  	[dreg:$0x0] =	wrdreg $0xFFFFFFFF;
	(pc) =	sbr.abs _section_cstart, $3  }
0x38: {  	[dreg:$0x1] =	wrdreg $0xFFFFFFFF  }
0x39: {  	_ =	task.clear_ibuf [dreg:s7], $0x2FFFF;
	_ =	strace $0x9FFFFFFF  }
0x3a: {  	(tm) =	ssettm $0x7FFFFFFF  }
0x3b: {  	_ =	shalt  }
tec
execute0_lowered:
.L_overlay_start_1:
0x0: {  	(tag) =	ssettag $0x1  }
0x1: {  	s0 =	srdreg.scid  }
0x2: {  	s1 =	sshll.u32 s0, $0x4  }
0x3: {  	s0 =	stileid.u32;
	s1 =	sand.u32 $0x10, s1  }
0x4: {  	s1 =	sor.u32 s0, s1  }
0x5: {  	s6 =	rddreg [dreg:$0x0];
	s4 =	simm.s32 $0x1;
	s2 =	sshll.u32 s1, $0x7  }
0x6: {  	s7 =	simm.s32 $0x2;
	s12 =	simm.s32 $0x0;
	s1 =	ssub.s32 $0x4000, s2  }
0x7: {  	s8 =	simm.s32 $0x20000;
	s13 =	simm.s32 $0x0;
	s3 =	sand.u32 $0xF80, s1  }
0x8: {  	s9 =	simm.s32 $0x0;
	s5 =	sshrl.u32 s1, $0xC;
	p0 =	sne.s32 s3, $0x0  }
.Ltmp0:
0x9: {  	s1 =	rddreg [dreg:$0x2];
	s4 =	simm.s32 @!p0 $0x0;
	(pc) =	sbr.rel .LBB1_1-.Ltmp0, $4  }
0xa: {  	s11 =	simm.s32 $0x0;
	s3 =	rddreg [dreg:$0x1];
	s5 =	sadd.s32 s4, s5  }
0xb: {  	_ =	strace $0x8000004A;
	s4 =	simm.s32 $0x1;
	s5 =	smul.u32 $0xC8, s5  }
0xc: {  	s6 =	sadd.s32 $0x805A00, s6;
	s10 =	smov.u32 s2;
	[sflag:s4] =	ssyncpa.u1 $0x0  }
0xd: {  	p0 =	por $0x0, $0x0;
	[sflag:s7] =	ssyncpa.u1 $0x0;
	s7 =	sor.u32 $0x1, s5  }
.LBB1_4:
0xe: {  	s16 =	sshll.u32 s13, $0x3;
	s17 =	sand.u32 $0x78, s13  }
0xf: {  	s30 =	sand.u32 $0x1F800, s13;
	s12 =	sshll.u32 s12, $0x11;
	s16 =	sand.u32 $0x3C00, s16  }
0x10: {  	[tilespmem:s15+$0x810 ss:$0x81] =	vst.msk $0xffff, v2;
	s31 =	sand.u32 $0x7, s13;
	s16 =	sor.u32 s17, s16;
	s17 =	sadd.s32 s3, s30  }
0x11: {  	[tilespmem:s15+$0x1020 ss:$0x81] =	vst.msk $0xffff, v0;
	s13 =	sshll.u32 s31, $0x12;
	s12 =	sadd.s32 s12, s17;
	s16 =	sshrl.u32 s16, $0x3  }
0x12: {  	[tilespmem:s15+$0x0 ss:$0x81] =	vst.msk $0xffff, v1;
	s13 =	sor.u32 $0x400, s13;
	s12 =	sadd.s32 s16, s12  }
0x13: {  	[hbm4b:s12+s13] =	stream.strided.scatter [tilespmem:s14], [sflag:$0x2], $0x2000, s8, s13, $0x20;
	[tilespmem:$0x8080] =	vst v63  }
.LBB1_5:
0x14: {  	s14 =	sadd.s32 $0x1, s9  }
0x15: {  	s12 =	sadd.s32 $0x1000, s10;
	s16 =	smov.u32 s10;
	p2 =	sgt.s32 s14, $0xC7  }
0x16: {  	s16 =	smov.u32 @p2 s12  }
0x17: {  	s14 =	simm.s32 @p2 $0x0;
	p2 =	sgt.s32 s16, $0x3FFF  }
0x18: {  	s16 =	smov.u32 @p2 s2;
	p2 =	sne.s32 s11, s7  }
.Ltmp1:
0x19: {  	p1 =	slt.u32 s11, $0x2;
	(pc) =	sbr.rel @!p2 .LBB1_6-.Ltmp1, $4  }
0x1a: {  	s15 =	simm.s32 @!p1 $0x2  }
0x1b: {  	s13 =	smov.u32 s10;
	p0 =	por !p0, !p0;
	_ =	swait.ge @!p1 [sflag:s15], $0x2000  }
0x1c: {  	s12 =	smov.u32 s9;
	[sflag:s15] =	ssyncset.done @!p1 $0x0;
	s9 =	smov.u32 s14  }
0x1d: {  	s11 =	sadd.s32 $0x1, s11;
	[sflag:s15] =	ssyncadd.s32 @!p1 $0xFFFFE000;
	s10 =	smov.u32 s16  }
.LBB1_1:
0x1e: {  	p1 =	sge.u32 s11, s5  }
0x1f: {  	s14 =	sand.u32 @!p1 $0x1FFFFFF, s9  }
0x20: {  	s15 =	smulhi.u32 @!p1 $0x147AE15, s14;
	_ =	sdelay $0x1  }
0x21: {  	s15 =	smul.u32 @!p1 $0xC8, s15  }
0x22: {  	s16 =	sxor.u32 @!p1 $0xFFFFFFFF, s11;
	s17 =	smul.u32 @!p1 $0xC80, s10  }
0x23: {  	s31 =	sadd.s32 $0xFFFFFFFF, s11;
	s16 =	sshll.u32 @!p1 s16, $0xD;
	s14 =	ssub.s32 @!p1 s14, s15  }
0x24: {  	s15 =	sand.u32 @!p1 $0x2000, s16;
	s16 =	sadd.s32 @!p1 s6, s17;
	s14 =	sshll.u32 @!p1 s14, $0x4  }
0x25: {  	s17 =	simm.s32 @!p1 $0x6400;
	s14 =	sadd.s32 @!p1 s14, s16;
	s16 =	simm.s32 @!p1 $0x40  }
0x26: {  	[tilespmem:s15], [sflag:$0x1] =	stream.strided.gather @!p1 [hbm4b:s14+s16], $0x2000, s17, s16, $0x38;
	[tilespmem:$0x8080] =	vst v63  }
0x27: {  	p1 =	sge.u32 s31, s5  }
.Ltmp2:
0x28: {  	_ = 	snop;
	(pc) =	sbr.rel @p1 .LBB1_5-.Ltmp2, $1  }
0x29: {  	_ =	sdelay $0x3  }
0x2a: {  	s14 =	simm.s32 $0x1  }
0x2b: {  	_ =	swait.ge [sflag:s4], $0x2000;
	s14 =	simm.s32 @!p0 $0x0  }
0x2c: {  	[sflag:s4] =	ssyncset.done $0x0;
	s15 =	sshll.u32 s14, $0xD  }
0x2d: {  	[sflag:s4] =	ssyncadd.s32 $0xFFFFE000;
	s18 =	sor.u32 $0x20, s15  }
0x2e: {  	s14 =	smul.u32 $0x8100, s14;
	v3 =	vld [tilespmem:s18+$0x10]  }
0x2f: {  	s30 =	sand.u32 $0x1, s11;
	v2 =	vld [tilespmem:s18+$0xFFFFFFF0]  }
0x30: {  	s15 =	smul.u32 $0x8100, s30;
	s14 =	sshrl.u32 s14, $0x2;
	v0 =	vld [tilespmem:s18+$0x0]  }
0x31: {  	v1 =	vld [tilespmem:s18+$0xFFFFFFE0];
	s16 =	sor.u32 $0x4000, s14  }
0x32: {  	s31 =	sshrl.u32 s15, $0x2;
	s15 =	sadd.s32 $0x0, s16  }
0x33: {  	s17 =	simm.s32 $0x4;
	s18 =	sadd.s32 $0x40, s18;
	s14 =	sor.u32 $0x4000, s31;
	[tilespmem:s15+$0x1830 ss:$0x81] =	vst.msk $0xffff, v3  }
.LBB1_3:
0x34: {  	v3 =	vld [tilespmem:s18+$0x10];
	p1 =	sne.s32 s17, $0x1FC;
	[tilespmem:s15+$0x810 ss:$0x81] =	vst.msk $0xffff, v2;
	s19 =	smov.u32 s17;
	s17 =	sadd.s32 $0x4, s17  }
.Ltmp3:
0x35: {  	v2 =	vld [tilespmem:s18+$0xFFFFFFF0];
	[tilespmem:s15+$0x1020 ss:$0x81] =	vst.msk $0xffff, v0;
	(pc) =	sbr.rel @p1 .LBB1_3-.Ltmp3, $4  }
0x36: {  	v0 =	vld [tilespmem:s18+$0x0];
	[tilespmem:s15+$0x0 ss:$0x81] =	vst.msk $0xffff, v1  }
0x37: {  	s15 =	sshra.s32 s19, $0x2;
	v1 =	vld [tilespmem:s18+$0xFFFFFFE0]  }
0x38: {  	s15 =	sadd.s32 s15, s16  }
0x39: {  	s18 =	sadd.s32 $0x40, s18;
	[tilespmem:s15+$0x1830 ss:$0x81] =	vst.msk $0xffff, v3  }
.Ltmp4:
0x3a: {  	_ = 	snop;
	(pc) =	sbr.rel .LBB1_4-.Ltmp4, $1  }
0x3b: {  	_ =	sdelay $0x3  }
.LBB1_6:
0x3c: {  	_ =	sfence.sel $0x180000  }
0x3d: {  	s2 =	simm.s32 $0x1;
	[bflag:$0x0] =	sbarrier.arrive $0xFFFF  }
0x3e: {  	s31 =	simm.s32 $0x2;
	[sflag:s2] =	ssyncpa.u1 $0x1  }
0x3f: {  	[sflag:s31] =	ssyncpa.u1 $0x1  }
0x40: {  	p0 =	sne.s32 s0, $0x0;
	_ =	strace $0x9000004A  }
0x41: {  	s0 =	sadd.s32 @!p0 $0x100000, s1;
	[bflag:$0x2] =	sbarrier.arrive $0xFFFF  }
0x42: {  	[sflag:s0] =	ssyncadd.tile.s32 @!p0 $0x1;
	_ =	shalt  }
.Lfunc_end1:
_tile_overlayer_lowered:
.L_overlay_start_2:
0x43: {  	(tag) =	ssettag $0x2  }
0x44: {  	s0 =	rddreg [dreg:$0x0];
	s2 =	stileid.u32  }
0x45: {  	s1 =	rddreg [dreg:$0x1];
	p0 =	sne.s32 s2, $0x0  }
0x46: {  	s3 =	rddreg [dreg:$0x2];
	[bflag:$0x3] =	sbarrier.arrive $0xFFFF;
	s2 =	simm.s32 @!p0 $0x1C01  }
0x47: {  	[timem:s3], [sflag:s2] =	dma.local @!p0 [hbm:s0], s1  }
0x48: {  	s0 =	simm.s32 @!p0 $0x1  }
0x49: {  	_ =	swait.ge @!p0 [sflag:s0], s1  }
0x4a: {  	s1 =	ssub.s32 @!p0 $0x0, s1;
	[sflag:s0] =	ssyncset.done @!p0 $0x0  }
0x4b: {  	[sflag:s0] =	ssyncadd.s32 @!p0 s1  }
0x4c: {  	[bflag:$0x3] =	sbarrier.arrive $0xFFFF  }
0x4d: {  	_ =	shalt  }

</sc_bundles>
